<compile_context>
chip_gen: v7x
topology: tpu7x:2x2x1
jax: 0.10.2.dev20260603
libtpu: 0.0.44.dev20260713+nightly
codegen_flags: <defaults>
</compile_context>

<pallas_src>
import jax
import jax.numpy as jnp
from jax import lax
from jax.experimental import pallas as pl
from jax.experimental.pallas import tpu as pltpu
from jax.experimental.pallas import tpu_sc as plsc

_S = 512
_B = 2048
_NW = 32
_CHUNK = 3200
_N2 = _NW * _CHUNK
_H = 4


def _tc_pass1(x_ref, seg_ref, wt_ref, b_ref, scores_ref, m_ref, denom_ref):
    i = pl.program_id(0)

    @pl.when(i == 0)
    def _init():
        m_ref[...] = jnp.full_like(m_ref, -jnp.inf)
        denom_ref[...] = jnp.zeros_like(denom_ref)

    x = x_ref[...]
    s = jnp.dot(x, wt_ref[...], preferred_element_type=jnp.float32) + b_ref[...]
    scores_ref[...] = s

    m_old = m_ref[0:1, :]
    m_new = jnp.maximum(m_old, jnp.max(s, axis=0, keepdims=True))
    scale = jnp.where(m_new == m_old, 1.0, jnp.exp(m_old - m_new))
    e = jnp.exp(s - m_new)

    seg = seg_ref[0, 0, :]
    ot = (jax.lax.broadcasted_iota(jnp.int32, (_S, s.shape[0]), 0)
          == seg[None, :]).astype(jnp.float32)
    dblk = jnp.dot(ot, e, preferred_element_type=jnp.float32)
    denom_ref[...] = denom_ref[...] * scale + dblk
    m_ref[...] = jnp.broadcast_to(m_new, m_ref.shape)


def _sc_body(scores_hbm, seg_hbm, m_hbm, den_hbm,
             attn_hbm, c_hbm,
             sc_v, seg_v, m_v, den_v, r_v, attn_b, c_v):
    cid = lax.axis_index("c")
    sid = lax.axis_index("s")
    wid = cid * 16 + sid
    base = wid * _CHUNK

    pltpu.sync_copy(scores_hbm.at[pl.ds(base * _H, _CHUNK * _H)], sc_v)
    pltpu.sync_copy(seg_hbm.at[pl.ds(base, _CHUNK)], seg_v)
    pltpu.sync_copy(m_hbm, m_v)
    pltpu.sync_copy(den_hbm, den_v)

    iota = lax.iota(jnp.int32, 16)
    iota4 = iota * 4

    def _rloop(k, carry):
        dv = den_v[pl.ds(k * 16, 16)]
        r_v[pl.ds(k * 16, 16)] = 1.0 / jnp.maximum(dv, 1e-16)
        return carry
    lax.fori_loop(0, (_S * _H) // 16, _rloop, 0)
    r_v[pl.ds(_S * _H, 16)] = jnp.zeros((16,), jnp.float32)

    m_splat = [plsc.load_gather(m_v, [jnp.full((16,), h + _H, jnp.int32)])
               for h in range(_H)]

    def _aloop(k, carry):
        segs = seg_v[pl.ds(k * 16, 16)]
        c16 = jnp.zeros((16,), jnp.float32)
        for h in range(_H):
            s_h = plsc.load_gather(sc_v, [k * 64 + iota4 + h])
            e = jnp.exp(s_h - m_splat[h])
            rg = plsc.load_gather(r_v, [segs * _H + h])
            a = e * rg
            attn_b[pl.ds(h * _CHUNK + k * 16, 16)] = a
            c16 = c16 + a
        c_v[pl.ds(k * 16, 16)] = 0.25 * c16
        return carry
    lax.fori_loop(0, _CHUNK // 16, _aloop, 0)

    for h in range(_H):
        pltpu.sync_copy(attn_b.at[pl.ds(h * _CHUNK, _CHUNK)],
                        attn_hbm.at[h, pl.ds(base, _CHUNK)])
    pltpu.sync_copy(c_v, c_hbm.at[pl.ds(base, _CHUNK)])


def _tc_pooled(x_ref, seg_ref, c_ref, pooled_ref):
    i = pl.program_id(0)

    @pl.when(i == 0)
    def _init():
        pooled_ref[...] = jnp.zeros_like(pooled_ref)

    seg = seg_ref[0, 0, :]
    ot = (jax.lax.broadcasted_iota(jnp.int32, (_S, seg.shape[0]), 0)
          == seg[None, :]).astype(jnp.float32)
    y = x_ref[...] * c_ref[...]
    pooled_ref[...] += jnp.dot(ot, y, preferred_element_type=jnp.float32)


def kernel(x, batch_indices, W, b, temperature):
    n, d = x.shape
    h = W.shape[0]

    x_p = jnp.pad(x, ((0, _N2 - n), (0, 0)))
    seg_p = jnp.pad(batch_indices.astype(jnp.int32), (0, _N2 - n),
                    constant_values=_S)

    wt = (W / temperature).T.astype(jnp.float32)
    b2 = (b / temperature).reshape(1, h).astype(jnp.float32)
    seg3 = seg_p.reshape(_N2 // _B, 1, _B)

    params = pltpu.CompilerParams(dimension_semantics=("arbitrary",))
    nblk = _N2 // _B

    scores, m, denom = pl.pallas_call(
        _tc_pass1,
        grid=(nblk,),
        in_specs=[
            pl.BlockSpec((_B, d), lambda i: (i, 0)),
            pl.BlockSpec((1, 1, _B), lambda i: (i, 0, 0)),
            pl.BlockSpec((d, h), lambda i: (0, 0)),
            pl.BlockSpec((1, h), lambda i: (0, 0)),
        ],
        out_specs=[
            pl.BlockSpec((_B, h), lambda i: (i, 0)),
            pl.BlockSpec((8, h), lambda i: (0, 0)),
            pl.BlockSpec((_S, h), lambda i: (0, 0)),
        ],
        out_shape=[
            jax.ShapeDtypeStruct((_N2, h), jnp.float32),
            jax.ShapeDtypeStruct((8, h), jnp.float32),
            jax.ShapeDtypeStruct((_S, h), jnp.float32),
        ],
        compiler_params=params,
    )(x_p, seg3, wt, b2)

    mesh = plsc.VectorSubcoreMesh(core_axis_name="c", subcore_axis_name="s",
                                  num_cores=2, num_subcores=16)
    sc_call = pl.kernel(
        _sc_body,
        out_type=(
            jax.ShapeDtypeStruct((_H, _N2), jnp.float32),
            jax.ShapeDtypeStruct((_N2,), jnp.float32),
        ),
        mesh=mesh,
        compiler_params=pltpu.CompilerParams(needs_layout_passes=False),
        scratch_types=[
            pltpu.VMEM((_CHUNK * _H,), jnp.float32),
            pltpu.VMEM((_CHUNK,), jnp.int32),
            pltpu.VMEM((32,), jnp.float32),
            pltpu.VMEM((_S * _H,), jnp.float32),
            pltpu.VMEM((_S * _H + 128,), jnp.float32),
            pltpu.VMEM((_CHUNK * _H,), jnp.float32),
            pltpu.VMEM((_CHUNK,), jnp.float32),
        ],
    )
    attn_t, c = sc_call(
        scores.reshape(-1), seg_p, m.reshape(-1), denom.reshape(-1))

    pooled = pl.pallas_call(
        _tc_pooled,
        grid=(nblk,),
        in_specs=[
            pl.BlockSpec((_B, d), lambda i: (i, 0)),
            pl.BlockSpec((1, 1, _B), lambda i: (i, 0, 0)),
            pl.BlockSpec((_B, 1), lambda i: (i, 0)),
        ],
        out_specs=pl.BlockSpec((_S, d), lambda i: (0, 0)),
        out_shape=jax.ShapeDtypeStruct((_S, d), jnp.float32),
        compiler_params=params,
    )(x_p, seg3, c.reshape(_N2, 1))

    return (pooled, attn_t[:, :n])

# --- scband reference (transcript-rebuilt; emitter-appended) ---
"""Pipeline reference for scband-multi-head-attention-pooling-layer-51857435132415 (READ-ONLY COPY).

The authoritative reference and input builder live on the scoring server;
editing this copy changes nothing except your own understanding.
"""

import jax, jax.numpy as jnp
import numpy as np

N_NODES = 100000
D = 128
H = 4
NUM_SEGMENTS = 512

def setup_inputs(seed: int = 0) -> dict:
    key = jax.random.key(seed)
    k1, k2, k3, k4 = jax.random.split(key, 4)
    x = jax.random.normal(k1, (N_NODES, D), dtype=jnp.float32)
    batch_indices = jnp.sort(jax.random.randint(k2, (N_NODES,), 0, NUM_SEGMENTS, dtype=jnp.int64))
    # per-head linear layers nn.Linear(input_dim, 1): weight [1, D], bias [1]; stack across heads
    W = jax.random.normal(k3, (H, D), dtype=jnp.float32) * (1.0 / np.sqrt(D))
    b = jax.random.normal(k4, (H,), dtype=jnp.float32) * (1.0 / np.sqrt(D))
    temperature = jnp.array(1.0, dtype=jnp.float32)
    return {"x": x, "batch_indices": batch_indices, "W": W, "b": b, "temperature": temperature}

def reference(x, batch_indices, W, b, temperature):
    seg = batch_indices
    # attention scores per head: [N, H]
    scores = (x @ W.T + b) / temperature
    # scatter_softmax over segments (dim=1 of [H, N] == node axis)
    smax = jax.ops.segment_max(scores, seg, num_segments=NUM_SEGMENTS, indices_are_sorted=True)
    smax = jnp.where(jnp.isfinite(smax), smax, 0.0)  # guard empty segments
    ex = jnp.exp(scores - smax[seg])
    denom = jax.ops.segment_sum(ex, seg, num_segments=NUM_SEGMENTS, indices_are_sorted=True)
    attn = ex / jnp.maximum(denom[seg], 1e-16)  # [N, H]
    # weighted sum per segment per head
    weighted = x[:, None, :] * attn[:, :, None]  # [N, H, D]
    pooled = jax.ops.segment_sum(weighted, seg, num_segments=NUM_SEGMENTS, indices_are_sorted=True)  # [S, H, D]
    x_pooled = pooled.mean(axis=1)  # mean over heads -> [S, D]
    attention_weights = attn.T  # [H, N] to match torch layout
    return (x_pooled, attention_weights)

if __name__ == "__main__":
    import jax
    _d = setup_inputs()
    print(jax.jit(kernel)(*tuple(_d.values())))

</pallas_src>

<mosaic_0001>
#map = affine_map<(d0, d1) -> (0)>
#map1 = affine_map<(d0, d1) -> (0, 0)>
module attributes {stable_mosaic.version = 14 : i64} {
  func.func @_sc_body(%arg0: i32, %arg1: i32, %arg2: memref<409600xf32, #tpu.memory_space<hbm>>, %arg3: memref<102400xi32, #tpu.memory_space<hbm>>, %arg4: memref<32xf32, #tpu.memory_space<hbm>>, %arg5: memref<2048xf32, #tpu.memory_space<hbm>>, %arg6: memref<4x102400xf32, #tpu.memory_space<hbm>>, %arg7: memref<102400xf32, #tpu.memory_space<hbm>>, %arg8: memref<12800xf32, #tpu.memory_space<vmem>>, %arg9: memref<3200xi32, #tpu.memory_space<vmem>>, %arg10: memref<32xf32, #tpu.memory_space<vmem>>, %arg11: memref<2048xf32, #tpu.memory_space<vmem>>, %arg12: memref<2176xf32, #tpu.memory_space<vmem>>, %arg13: memref<12800xf32, #tpu.memory_space<vmem>>, %arg14: memref<3200xf32, #tpu.memory_space<vmem>>) attributes {dimension_semantics = [#tpu.dimension_semantics<core_parallel>, #tpu.dimension_semantics<subcore_parallel>], iteration_bounds = array<i64: 2, 16>, scalar_prefetch = 0 : i64, scratch_operands = 7 : i64, tpu.core_type = #tpu.core_type<sc_vector_subcore>, window_params = [{transform_indices = #map}, {transform_indices = #map}, {transform_indices = #map}, {transform_indices = #map}, {transform_indices = #map1}, {transform_indices = #map}]} {
    %mul3A = arith.constant 16 : i32
    %mul3A_0 = arith.muli %arg0, %mul3A : i32
    %add3A = arith.addi %mul3A_0, %arg1 : i32
    %mul3A_1 = arith.constant 3200 : i32
    %mul3A_2 = arith.muli %add3A, %mul3A_1 : i32
    %mul3A_3 = arith.constant 4 : i32
    %mul3A_4 = arith.muli %mul3A_2, %mul3A_3 : i32
    "tpu.region"() ({
      %run_scoped3A_35 = tpu.sem_alloc : memref<!tpu.dma_semaphore, #tpu.memory_space<semaphore_mem>>
      %dma_start3A = tpu.memref_slice %arg2[%mul3A_4] : memref<409600xf32, #tpu.memory_space<hbm>> -> memref<12800xf32, #tpu.memory_space<hbm>>
      %dma_start3A_36 = tpu.memref_slice %arg2[%mul3A_4] : memref<409600xf32, #tpu.memory_space<hbm>> -> memref<12800xf32, #tpu.memory_space<hbm>>
      tpu.enqueue_dma source(%dma_start3A_36 : memref<12800xf32, #tpu.memory_space<hbm>>) target(%arg8 : memref<12800xf32, #tpu.memory_space<vmem>>) target_semaphore(%run_scoped3A_35 : memref<!tpu.dma_semaphore, #tpu.memory_space<semaphore_mem>>)
      %dma_wait3A = tpu.memref_slice %arg2[%mul3A_4] : memref<409600xf32, #tpu.memory_space<hbm>> -> memref<12800xf32, #tpu.memory_space<hbm>>
      %dma_wait3A_37 = tpu.memref_slice %arg2[%mul3A_4] : memref<409600xf32, #tpu.memory_space<hbm>> -> memref<12800xf32, #tpu.memory_space<hbm>>
      tpu.wait_dma2 semaphore(%run_scoped3A_35 : memref<!tpu.dma_semaphore, #tpu.memory_space<semaphore_mem>>) src(%dma_wait3A_37 : memref<12800xf32, #tpu.memory_space<hbm>>) dst(%arg8 : memref<12800xf32, #tpu.memory_space<vmem>>)
      tpu.yield
    }) : () -> ()
    "tpu.region"() ({
      %run_scoped3A_35 = tpu.sem_alloc : memref<!tpu.dma_semaphore, #tpu.memory_space<semaphore_mem>>
      %dma_start3A = tpu.memref_slice %arg3[%mul3A_2] : memref<102400xi32, #tpu.memory_space<hbm>> -> memref<3200xi32, #tpu.memory_space<hbm>>
      %dma_start3A_36 = tpu.memref_slice %arg3[%mul3A_2] : memref<102400xi32, #tpu.memory_space<hbm>> -> memref<3200xi32, #tpu.memory_space<hbm>>
      tpu.enqueue_dma source(%dma_start3A_36 : memref<3200xi32, #tpu.memory_space<hbm>>) target(%arg9 : memref<3200xi32, #tpu.memory_space<vmem>>) target_semaphore(%run_scoped3A_35 : memref<!tpu.dma_semaphore, #tpu.memory_space<semaphore_mem>>)
      %dma_wait3A = tpu.memref_slice %arg3[%mul3A_2] : memref<102400xi32, #tpu.memory_space<hbm>> -> memref<3200xi32, #tpu.memory_space<hbm>>
      %dma_wait3A_37 = tpu.memref_slice %arg3[%mul3A_2] : memref<102400xi32, #tpu.memory_space<hbm>> -> memref<3200xi32, #tpu.memory_space<hbm>>
      tpu.wait_dma2 semaphore(%run_scoped3A_35 : memref<!tpu.dma_semaphore, #tpu.memory_space<semaphore_mem>>) src(%dma_wait3A_37 : memref<3200xi32, #tpu.memory_space<hbm>>) dst(%arg9 : memref<3200xi32, #tpu.memory_space<vmem>>)
      tpu.yield
    }) : () -> ()
    "tpu.region"() ({
      %run_scoped3A_35 = tpu.sem_alloc : memref<!tpu.dma_semaphore, #tpu.memory_space<semaphore_mem>>
      tpu.enqueue_dma source(%arg4 : memref<32xf32, #tpu.memory_space<hbm>>) target(%arg10 : memref<32xf32, #tpu.memory_space<vmem>>) target_semaphore(%run_scoped3A_35 : memref<!tpu.dma_semaphore, #tpu.memory_space<semaphore_mem>>)
      tpu.wait_dma2 semaphore(%run_scoped3A_35 : memref<!tpu.dma_semaphore, #tpu.memory_space<semaphore_mem>>) src(%arg4 : memref<32xf32, #tpu.memory_space<hbm>>) dst(%arg10 : memref<32xf32, #tpu.memory_space<vmem>>)
      tpu.yield
    }) : () -> ()
    "tpu.region"() ({
      %run_scoped3A_35 = tpu.sem_alloc : memref<!tpu.dma_semaphore, #tpu.memory_space<semaphore_mem>>
      tpu.enqueue_dma source(%arg5 : memref<2048xf32, #tpu.memory_space<hbm>>) target(%arg11 : memref<2048xf32, #tpu.memory_space<vmem>>) target_semaphore(%run_scoped3A_35 : memref<!tpu.dma_semaphore, #tpu.memory_space<semaphore_mem>>)
      tpu.wait_dma2 semaphore(%run_scoped3A_35 : memref<!tpu.dma_semaphore, #tpu.memory_space<semaphore_mem>>) src(%arg5 : memref<2048xf32, #tpu.memory_space<hbm>>) dst(%arg11 : memref<2048xf32, #tpu.memory_space<vmem>>)
      tpu.yield
    }) : () -> ()
    %iota3A = tpu.iota {dimensions = array<i32: 0>} : vector<16xi32>
    %mul3A_5 = arith.constant 4 : i32
    %mul3A_6 = vector.broadcast %mul3A_5 : i32 to vector<16xi32>
    %mul3A_7 = arith.muli %iota3A, %mul3A_6 : vector<16xi32>
    %scan3A = arith.constant 0 : i32
    %scan3A_8 = arith.constant 0 : i32
    %scan3A_9 = arith.constant 128 : i32
    %scan3A_10 = arith.addi %scan3A_8, %scan3A_9 : i32
    %scan3A_11 = arith.constant 1 : i32
    scf.for %scan3A_35 = %scan3A_8 to %scan3A_10 step %scan3A_11  : i32 {
      %mul3A_36 = arith.constant 16 : i32
      %mul3A_37 = arith.muli %scan3A_35, %mul3A_36 : i32
      %get3A = arith.index_cast %mul3A_37 : i32 to index
      %get3A_38 = tpu.vector_load %arg11[%get3A] {strides = array<i32>} : memref<2048xf32, #tpu.memory_space<vmem>>, vector<16xf32>,
      %max3A = arith.constant 1.000000e-16 : f32
      %max3A_39 = vector.broadcast %max3A : f32 to vector<16xf32>
      %max3A_40 = arith.maximumf %get3A_38, %max3A_39 : vector<16xf32>
      %div3A = arith.constant 1.000000e+00 : f32
      %div3A_41 = vector.broadcast %div3A : f32 to vector<16xf32>
      %div3A_42 = arith.divf %div3A_41, %max3A_40 : vector<16xf32>
      %mul3A_43 = arith.constant 16 : i32
      %mul3A_44 = arith.muli %scan3A_35, %mul3A_43 : i32
      %swap3A_45 = arith.index_cast %mul3A_44 : i32 to index
      %swap3A_46 = tpu.vector_load %arg12[%swap3A_45] {strides = array<i32>} : memref<2176xf32, #tpu.memory_space<vmem>>, vector<16xf32>,
      tpu.vector_store %arg12[%swap3A_45], %div3A_42 {strides = array<i32>} : memref<2176xf32, #tpu.memory_space<vmem>>, vector<16xf32>,
    }
    %scan3A_12 = arith.constant 128 : i32
    %broadcast_in_dim3A = arith.constant 0.000000e+00 : f32
    %broadcast_in_dim3A_13 = vector.broadcast %broadcast_in_dim3A : f32 to vector<16xf32>
    %swap3A = arith.constant 2048 : index
    %swap3A_14 = tpu.vector_load %arg12[%swap3A] {strides = array<i32>} : memref<2176xf32, #tpu.memory_space<vmem>>, vector<16xf32>,
    tpu.vector_store %arg12[%swap3A], %broadcast_in_dim3A_13 {strides = array<i32>} : memref<2176xf32, #tpu.memory_space<vmem>>, vector<16xf32>,
    %broadcast_in_dim3A_15 = arith.constant 4 : i32
    %broadcast_in_dim3A_16 = vector.broadcast %broadcast_in_dim3A_15 : i32 to vector<16xi32>
    %gather3A = tpu.vector_load_idx %arg10[%broadcast_in_dim3A_16] : memref<32xf32, #tpu.memory_space<vmem>>[vector<16xi32>], vector<16xf32>,
    %broadcast_in_dim3A_17 = arith.constant 5 : i32
    %broadcast_in_dim3A_18 = vector.broadcast %broadcast_in_dim3A_17 : i32 to vector<16xi32>
    %gather3A_19 = tpu.vector_load_idx %arg10[%broadcast_in_dim3A_18] : memref<32xf32, #tpu.memory_space<vmem>>[vector<16xi32>], vector<16xf32>,
    %broadcast_in_dim3A_20 = arith.constant 6 : i32
    %broadcast_in_dim3A_21 = vector.broadcast %broadcast_in_dim3A_20 : i32 to vector<16xi32>
    %gather3A_22 = tpu.vector_load_idx %arg10[%broadcast_in_dim3A_21] : memref<32xf32, #tpu.memory_space<vmem>>[vector<16xi32>], vector<16xf32>,
    %broadcast_in_dim3A_23 = arith.constant 7 : i32
    %broadcast_in_dim3A_24 = vector.broadcast %broadcast_in_dim3A_23 : i32 to vector<16xi32>
    %gather3A_25 = tpu.vector_load_idx %arg10[%broadcast_in_dim3A_24] : memref<32xf32, #tpu.memory_space<vmem>>[vector<16xi32>], vector<16xf32>,
    %scan3A_26 = arith.constant 0 : i32
    %scan3A_27 = arith.constant 0 : i32
    %scan3A_28 = arith.constant 200 : i32
    %scan3A_29 = arith.addi %scan3A_27, %scan3A_28 : i32
    %scan3A_30 = arith.constant 1 : i32
    scf.for %scan3A_35 = %scan3A_27 to %scan3A_29 step %scan3A_30  : i32 {
      %mul3A_36 = arith.constant 16 : i32
      %mul3A_37 = arith.muli %scan3A_35, %mul3A_36 : i32
      %get3A = arith.index_cast %mul3A_37 : i32 to index
      %get3A_38 = tpu.vector_load %arg9[%get3A] {strides = array<i32>} : memref<3200xi32, #tpu.memory_space<vmem>>, vector<16xi32>,
      %broadcast_in_dim3A_39 = arith.constant 0.000000e+00 : f32
      %broadcast_in_dim3A_40 = vector.broadcast %broadcast_in_dim3A_39 : f32 to vector<16xf32>
      %mul3A_41 = arith.constant 64 : i32
      %mul3A_42 = arith.muli %scan3A_35, %mul3A_41 : i32
      %add3A_43 = vector.broadcast %mul3A_42 : i32 to vector<16xi32>
      %add3A_44 = arith.addi %add3A_43, %mul3A_7 : vector<16xi32>
      %add3A_45 = arith.constant 0 : i32
      %add3A_46 = vector.broadcast %add3A_45 : i32 to vector<16xi32>
      %add3A_47 = arith.addi %add3A_44, %add3A_46 : vector<16xi32>
      %gather3A_48 = tpu.vector_load_idx %arg8[%add3A_47] : memref<12800xf32, #tpu.memory_space<vmem>>[vector<16xi32>], vector<16xf32>,
      %sub3A = arith.subf %gather3A_48, %gather3A : vector<16xf32>
      %exp3A = math.exp %sub3A : vector<16xf32>
      %mul3A_49 = arith.constant 4 : i32
      %mul3A_50 = vector.broadcast %mul3A_49 : i32 to vector<16xi32>
      %mul3A_51 = arith.muli %get3A_38, %mul3A_50 : vector<16xi32>
      %add3A_52 = arith.constant 0 : i32
      %add3A_53 = vector.broadcast %add3A_52 : i32 to vector<16xi32>
      %add3A_54 = arith.addi %mul3A_51, %add3A_53 : vector<16xi32>
      %gather3A_55 = tpu.vector_load_idx %arg12[%add3A_54] : memref<2176xf32, #tpu.memory_space<vmem>>[vector<16xi32>], vector<16xf32>,
      %mul3A_56 = arith.mulf %exp3A, %gather3A_55 : vector<16xf32>
      %mul3A_57 = arith.constant 16 : i32
      %mul3A_58 = arith.muli %scan3A_35, %mul3A_57 : i32
      %add3A_59 = arith.constant 0 : i32
      %add3A_60 = arith.addi %add3A_59, %mul3A_58 : i32
      %swap3A_61 = arith.index_cast %add3A_60 : i32 to index
      %swap3A_62 = tpu.vector_load %arg13[%swap3A_61] {strides = array<i32>} : memref<12800xf32, #tpu.memory_space<vmem>>, vector<16xf32>,
      tpu.vector_store %arg13[%swap3A_61], %mul3A_56 {strides = array<i32>} : memref<12800xf32, #tpu.memory_space<vmem>>, vector<16xf32>,
      %add3A_63 = arith.addf %broadcast_in_dim3A_40, %mul3A_56 : vector<16xf32>
      %mul3A_64 = arith.constant 64 : i32
      %mul3A_65 = arith.muli %scan3A_35, %mul3A_64 : i32
      %add3A_66 = vector.broadcast %mul3A_65 : i32 to vector<16xi32>
      %add3A_67 = arith.addi %add3A_66, %mul3A_7 : vector<16xi32>
      %add3A_68 = arith.constant 1 : i32
      %add3A_69 = vector.broadcast %add3A_68 : i32 to vector<16xi32>
      %add3A_70 = arith.addi %add3A_67, %add3A_69 : vector<16xi32>
      %gather3A_71 = tpu.vector_load_idx %arg8[%add3A_70] : memref<12800xf32, #tpu.memory_space<vmem>>[vector<16xi32>], vector<16xf32>,
      %sub3A_72 = arith.subf %gather3A_71, %gather3A_19 : vector<16xf32>
      %exp3A_73 = math.exp %sub3A_72 : vector<16xf32>
      %mul3A_74 = arith.constant 4 : i32
      %mul3A_75 = vector.broadcast %mul3A_74 : i32 to vector<16xi32>
      %mul3A_76 = arith.muli %get3A_38, %mul3A_75 : vector<16xi32>
      %add3A_77 = arith.constant 1 : i32
      %add3A_78 = vector.broadcast %add3A_77 : i32 to vector<16xi32>
      %add3A_79 = arith.addi %mul3A_76, %add3A_78 : vector<16xi32>
      %gather3A_80 = tpu.vector_load_idx %arg12[%add3A_79] : memref<2176xf32, #tpu.memory_space<vmem>>[vector<16xi32>], vector<16xf32>,
      %mul3A_81 = arith.mulf %exp3A_73, %gather3A_80 : vector<16xf32>
      %mul3A_82 = arith.constant 16 : i32
      %mul3A_83 = arith.muli %scan3A_35, %mul3A_82 : i32
      %add3A_84 = arith.constant 3200 : i32
      %add3A_85 = arith.addi %add3A_84, %mul3A_83 : i32
      %swap3A_86 = arith.index_cast %add3A_85 : i32 to index
      %swap3A_87 = tpu.vector_load %arg13[%swap3A_86] {strides = array<i32>} : memref<12800xf32, #tpu.memory_space<vmem>>, vector<16xf32>,
      tpu.vector_store %arg13[%swap3A_86], %mul3A_81 {strides = array<i32>} : memref<12800xf32, #tpu.memory_space<vmem>>, vector<16xf32>,
      %add3A_88 = arith.addf %add3A_63, %mul3A_81 : vector<16xf32>
      %mul3A_89 = arith.constant 64 : i32
      %mul3A_90 = arith.muli %scan3A_35, %mul3A_89 : i32
      %add3A_91 = vector.broadcast %mul3A_90 : i32 to vector<16xi32>
      %add3A_92 = arith.addi %add3A_91, %mul3A_7 : vector<16xi32>
      %add3A_93 = arith.constant 2 : i32
      %add3A_94 = vector.broadcast %add3A_93 : i32 to vector<16xi32>
      %add3A_95 = arith.addi %add3A_92, %add3A_94 : vector<16xi32>
      %gather3A_96 = tpu.vector_load_idx %arg8[%add3A_95] : memref<12800xf32, #tpu.memory_space<vmem>>[vector<16xi32>], vector<16xf32>,
      %sub3A_97 = arith.subf %gather3A_96, %gather3A_22 : vector<16xf32>
      %exp3A_98 = math.exp %sub3A_97 : vector<16xf32>
      %mul3A_99 = arith.constant 4 : i32
      %mul3A_100 = vector.broadcast %mul3A_99 : i32 to vector<16xi32>
      %mul3A_101 = arith.muli %get3A_38, %mul3A_100 : vector<16xi32>
      %add3A_102 = arith.constant 2 : i32
      %add3A_103 = vector.broadcast %add3A_102 : i32 to vector<16xi32>
      %add3A_104 = arith.addi %mul3A_101, %add3A_103 : vector<16xi32>
      %gather3A_105 = tpu.vector_load_idx %arg12[%add3A_104] : memref<2176xf32, #tpu.memory_space<vmem>>[vector<16xi32>], vector<16xf32>,
      %mul3A_106 = arith.mulf %exp3A_98, %gather3A_105 : vector<16xf32>
      %mul3A_107 = arith.constant 16 : i32
      %mul3A_108 = arith.muli %scan3A_35, %mul3A_107 : i32
      %add3A_109 = arith.constant 6400 : i32
      %add3A_110 = arith.addi %add3A_109, %mul3A_108 : i32
      %swap3A_111 = arith.index_cast %add3A_110 : i32 to index
      %swap3A_112 = tpu.vector_load %arg13[%swap3A_111] {strides = array<i32>} : memref<12800xf32, #tpu.memory_space<vmem>>, vector<16xf32>,
      tpu.vector_store %arg13[%swap3A_111], %mul3A_106 {strides = array<i32>} : memref<12800xf32, #tpu.memory_space<vmem>>, vector<16xf32>,
      %add3A_113 = arith.addf %add3A_88, %mul3A_106 : vector<16xf32>
      %mul3A_114 = arith.constant 64 : i32
      %mul3A_115 = arith.muli %scan3A_35, %mul3A_114 : i32
      %add3A_116 = vector.broadcast %mul3A_115 : i32 to vector<16xi32>
      %add3A_117 = arith.addi %add3A_116, %mul3A_7 : vector<16xi32>
      %add3A_118 = arith.constant 3 : i32
      %add3A_119 = vector.broadcast %add3A_118 : i32 to vector<16xi32>
      %add3A_120 = arith.addi %add3A_117, %add3A_119 : vector<16xi32>
      %gather3A_121 = tpu.vector_load_idx %arg8[%add3A_120] : memref<12800xf32, #tpu.memory_space<vmem>>[vector<16xi32>], vector<16xf32>,
      %sub3A_122 = arith.subf %gather3A_121, %gather3A_25 : vector<16xf32>
      %exp3A_123 = math.exp %sub3A_122 : vector<16xf32>
      %mul3A_124 = arith.constant 4 : i32
      %mul3A_125 = vector.broadcast %mul3A_124 : i32 to vector<16xi32>
      %mul3A_126 = arith.muli %get3A_38, %mul3A_125 : vector<16xi32>
      %add3A_127 = arith.constant 3 : i32
      %add3A_128 = vector.broadcast %add3A_127 : i32 to vector<16xi32>
      %add3A_129 = arith.addi %mul3A_126, %add3A_128 : vector<16xi32>
      %gather3A_130 = tpu.vector_load_idx %arg12[%add3A_129] : memref<2176xf32, #tpu.memory_space<vmem>>[vector<16xi32>], vector<16xf32>,
      %mul3A_131 = arith.mulf %exp3A_123, %gather3A_130 : vector<16xf32>
      %mul3A_132 = arith.constant 16 : i32
      %mul3A_133 = arith.muli %scan3A_35, %mul3A_132 : i32
      %add3A_134 = arith.constant 9600 : i32
      %add3A_135 = arith.addi %add3A_134, %mul3A_133 : i32
      %swap3A_136 = arith.index_cast %add3A_135 : i32 to index
      %swap3A_137 = tpu.vector_load %arg13[%swap3A_136] {strides = array<i32>} : memref<12800xf32, #tpu.memory_space<vmem>>, vector<16xf32>,
      tpu.vector_store %arg13[%swap3A_136], %mul3A_131 {strides = array<i32>} : memref<12800xf32, #tpu.memory_space<vmem>>, vector<16xf32>,
      %add3A_138 = arith.addf %add3A_113, %mul3A_131 : vector<16xf32>
      %mul3A_139 = arith.constant 2.500000e-01 : f32
      %mul3A_140 = vector.broadcast %mul3A_139 : f32 to vector<16xf32>
      %mul3A_141 = arith.mulf %mul3A_140, %add3A_138 : vector<16xf32>
      %mul3A_142 = arith.constant 16 : i32
      %mul3A_143 = arith.muli %scan3A_35, %mul3A_142 : i32
      %swap3A_144 = arith.index_cast %mul3A_143 : i32 to index
      %swap3A_145 = tpu.vector_load %arg14[%swap3A_144] {strides = array<i32>} : memref<3200xf32, #tpu.memory_space<vmem>>, vector<16xf32>,
      tpu.vector_store %arg14[%swap3A_144], %mul3A_141 {strides = array<i32>} : memref<3200xf32, #tpu.memory_space<vmem>>, vector<16xf32>,
    }
    %scan3A_31 = arith.constant 200 : i32
    %run_scoped3A = arith.constant 0 : i32
    "tpu.region"() ({
      %run_scoped3A_35 = tpu.sem_alloc : memref<!tpu.dma_semaphore, #tpu.memory_space<semaphore_mem>>
      %dma_start3A = arith.constant 0 : i32
      %dma_start3A_36 = tpu.memref_slice %arg13[%dma_start3A] : memref<12800xf32, #tpu.memory_space<vmem>> -> memref<3200xf32, #tpu.memory_space<vmem>>
      %dma_start3A_37 = tpu.memref_slice %arg6[%run_scoped3A, %mul3A_2] : memref<4x102400xf32, #tpu.memory_space<hbm>> -> memref<1x3200xf32, #tpu.memory_space<hbm>>
      %dma_start3A_38 = tpu.memref_squeeze %dma_start3A_37 : memref<1x3200xf32, #tpu.memory_space<hbm>> -> memref<3200xf32, #tpu.memory_space<hbm>>
      %dma_start3A_39 = tpu.memref_slice %arg6[%run_scoped3A, %mul3A_2] : memref<4x102400xf32, #tpu.memory_space<hbm>> -> memref<1x3200xf32, #tpu.memory_space<hbm>>
      %dma_start3A_40 = tpu.memref_squeeze %dma_start3A_39 : memref<1x3200xf32, #tpu.memory_space<hbm>> -> memref<3200xf32, #tpu.memory_space<hbm>>
      %dma_start3A_41 = arith.constant 0 : i32
      %dma_start3A_42 = tpu.memref_slice %arg13[%dma_start3A_41] : memref<12800xf32, #tpu.memory_space<vmem>> -> memref<3200xf32, #tpu.memory_space<vmem>>
      tpu.enqueue_dma source(%dma_start3A_42 : memref<3200xf32, #tpu.memory_space<vmem>>) target(%dma_start3A_40 : memref<3200xf32, #tpu.memory_space<hbm>>) target_semaphore(%run_scoped3A_35 : memref<!tpu.dma_semaphore, #tpu.memory_space<semaphore_mem>>)
      %dma_wait3A = arith.constant 0 : i32
      %dma_wait3A_43 = tpu.memref_slice %arg13[%dma_wait3A] : memref<12800xf32, #tpu.memory_space<vmem>> -> memref<3200xf32, #tpu.memory_space<vmem>>
      %dma_wait3A_44 = tpu.memref_slice %arg6[%run_scoped3A, %mul3A_2] : memref<4x102400xf32, #tpu.memory_space<hbm>> -> memref<1x3200xf32, #tpu.memory_space<hbm>>
      %dma_wait3A_45 = tpu.memref_squeeze %dma_wait3A_44 : memref<1x3200xf32, #tpu.memory_space<hbm>> -> memref<3200xf32, #tpu.memory_space<hbm>>
      %dma_wait3A_46 = tpu.memref_slice %arg6[%run_scoped3A, %mul3A_2] : memref<4x102400xf32, #tpu.memory_space<hbm>> -> memref<1x3200xf32, #tpu.memory_space<hbm>>
      %dma_wait3A_47 = tpu.memref_squeeze %dma_wait3A_46 : memref<1x3200xf32, #tpu.memory_space<hbm>> -> memref<3200xf32, #tpu.memory_space<hbm>>
      %dma_wait3A_48 = arith.constant 0 : i32
      %dma_wait3A_49 = tpu.memref_slice %arg13[%dma_wait3A_48] : memref<12800xf32, #tpu.memory_space<vmem>> -> memref<3200xf32, #tpu.memory_space<vmem>>
      tpu.wait_dma2 semaphore(%run_scoped3A_35 : memref<!tpu.dma_semaphore, #tpu.memory_space<semaphore_mem>>) src(%dma_wait3A_49 : memref<3200xf32, #tpu.memory_space<vmem>>) dst(%dma_wait3A_47 : memref<3200xf32, #tpu.memory_space<hbm>>)
      tpu.yield
    }) : () -> ()
    %run_scoped3A_32 = arith.constant 1 : i32
    "tpu.region"() ({
      %run_scoped3A_35 = tpu.sem_alloc : memref<!tpu.dma_semaphore, #tpu.memory_space<semaphore_mem>>
      %dma_start3A = arith.constant 3200 : i32
      %dma_start3A_36 = tpu.memref_slice %arg13[%dma_start3A] : memref<12800xf32, #tpu.memory_space<vmem>> -> memref<3200xf32, #tpu.memory_space<vmem>>
      %dma_start3A_37 = tpu.memref_slice %arg6[%run_scoped3A_32, %mul3A_2] : memref<4x102400xf32, #tpu.memory_space<hbm>> -> memref<1x3200xf32, #tpu.memory_space<hbm>>
      %dma_start3A_38 = tpu.memref_squeeze %dma_start3A_37 : memref<1x3200xf32, #tpu.memory_space<hbm>> -> memref<3200xf32, #tpu.memory_space<hbm>>
      %dma_start3A_39 = tpu.memref_slice %arg6[%run_scoped3A_32, %mul3A_2] : memref<4x102400xf32, #tpu.memory_space<hbm>> -> memref<1x3200xf32, #tpu.memory_space<hbm>>
      %dma_start3A_40 = tpu.memref_squeeze %dma_start3A_39 : memref<1x3200xf32, #tpu.memory_space<hbm>> -> memref<3200xf32, #tpu.memory_space<hbm>>
      %dma_start3A_41 = arith.constant 3200 : i32
      %dma_start3A_42 = tpu.memref_slice %arg13[%dma_start3A_41] : memref<12800xf32, #tpu.memory_space<vmem>> -> memref<3200xf32, #tpu.memory_space<vmem>>
      tpu.enqueue_dma source(%dma_start3A_42 : memref<3200xf32, #tpu.memory_space<vmem>>) target(%dma_start3A_40 : memref<3200xf32, #tpu.memory_space<hbm>>) target_semaphore(%run_scoped3A_35 : memref<!tpu.dma_semaphore, #tpu.memory_space<semaphore_mem>>)
      %dma_wait3A = arith.constant 3200 : i32
      %dma_wait3A_43 = tpu.memref_slice %arg13[%dma_wait3A] : memref<12800xf32, #tpu.memory_space<vmem>> -> memref<3200xf32, #tpu.memory_space<vmem>>
      %dma_wait3A_44 = tpu.memref_slice %arg6[%run_scoped3A_32, %mul3A_2] : memref<4x102400xf32, #tpu.memory_space<hbm>> -> memref<1x3200xf32, #tpu.memory_space<hbm>>
      %dma_wait3A_45 = tpu.memref_squeeze %dma_wait3A_44 : memref<1x3200xf32, #tpu.memory_space<hbm>> -> memref<3200xf32, #tpu.memory_space<hbm>>
      %dma_wait3A_46 = tpu.memref_slice %arg6[%run_scoped3A_32, %mul3A_2] : memref<4x102400xf32, #tpu.memory_space<hbm>> -> memref<1x3200xf32, #tpu.memory_space<hbm>>
      %dma_wait3A_47 = tpu.memref_squeeze %dma_wait3A_46 : memref<1x3200xf32, #tpu.memory_space<hbm>> -> memref<3200xf32, #tpu.memory_space<hbm>>
      %dma_wait3A_48 = arith.constant 3200 : i32
      %dma_wait3A_49 = tpu.memref_slice %arg13[%dma_wait3A_48] : memref<12800xf32, #tpu.memory_space<vmem>> -> memref<3200xf32, #tpu.memory_space<vmem>>
      tpu.wait_dma2 semaphore(%run_scoped3A_35 : memref<!tpu.dma_semaphore, #tpu.memory_space<semaphore_mem>>) src(%dma_wait3A_49 : memref<3200xf32, #tpu.memory_space<vmem>>) dst(%dma_wait3A_47 : memref<3200xf32, #tpu.memory_space<hbm>>)
      tpu.yield
    }) : () -> ()
    %run_scoped3A_33 = arith.constant 2 : i32
    "tpu.region"() ({
      %run_scoped3A_35 = tpu.sem_alloc : memref<!tpu.dma_semaphore, #tpu.memory_space<semaphore_mem>>
      %dma_start3A = arith.constant 6400 : i32
      %dma_start3A_36 = tpu.memref_slice %arg13[%dma_start3A] : memref<12800xf32, #tpu.memory_space<vmem>> -> memref<3200xf32, #tpu.memory_space<vmem>>
      %dma_start3A_37 = tpu.memref_slice %arg6[%run_scoped3A_33, %mul3A_2] : memref<4x102400xf32, #tpu.memory_space<hbm>> -> memref<1x3200xf32, #tpu.memory_space<hbm>>
      %dma_start3A_38 = tpu.memref_squeeze %dma_start3A_37 : memref<1x3200xf32, #tpu.memory_space<hbm>> -> memref<3200xf32, #tpu.memory_space<hbm>>
      %dma_start3A_39 = tpu.memref_slice %arg6[%run_scoped3A_33, %mul3A_2] : memref<4x102400xf32, #tpu.memory_space<hbm>> -> memref<1x3200xf32, #tpu.memory_space<hbm>>
      %dma_start3A_40 = tpu.memref_squeeze %dma_start3A_39 : memref<1x3200xf32, #tpu.memory_space<hbm>> -> memref<3200xf32, #tpu.memory_space<hbm>>
      %dma_start3A_41 = arith.constant 6400 : i32
      %dma_start3A_42 = tpu.memref_slice %arg13[%dma_start3A_41] : memref<12800xf32, #tpu.memory_space<vmem>> -> memref<3200xf32, #tpu.memory_space<vmem>>
      tpu.enqueue_dma source(%dma_start3A_42 : memref<3200xf32, #tpu.memory_space<vmem>>) target(%dma_start3A_40 : memref<3200xf32, #tpu.memory_space<hbm>>) target_semaphore(%run_scoped3A_35 : memref<!tpu.dma_semaphore, #tpu.memory_space<semaphore_mem>>)
      %dma_wait3A = arith.constant 6400 : i32
      %dma_wait3A_43 = tpu.memref_slice %arg13[%dma_wait3A] : memref<12800xf32, #tpu.memory_space<vmem>> -> memref<3200xf32, #tpu.memory_space<vmem>>
      %dma_wait3A_44 = tpu.memref_slice %arg6[%run_scoped3A_33, %mul3A_2] : memref<4x102400xf32, #tpu.memory_space<hbm>> -> memref<1x3200xf32, #tpu.memory_space<hbm>>
      %dma_wait3A_45 = tpu.memref_squeeze %dma_wait3A_44 : memref<1x3200xf32, #tpu.memory_space<hbm>> -> memref<3200xf32, #tpu.memory_space<hbm>>
      %dma_wait3A_46 = tpu.memref_slice %arg6[%run_scoped3A_33, %mul3A_2] : memref<4x102400xf32, #tpu.memory_space<hbm>> -> memref<1x3200xf32, #tpu.memory_space<hbm>>
      %dma_wait3A_47 = tpu.memref_squeeze %dma_wait3A_46 : memref<1x3200xf32, #tpu.memory_space<hbm>> -> memref<3200xf32, #tpu.memory_space<hbm>>
      %dma_wait3A_48 = arith.constant 6400 : i32
      %dma_wait3A_49 = tpu.memref_slice %arg13[%dma_wait3A_48] : memref<12800xf32, #tpu.memory_space<vmem>> -> memref<3200xf32, #tpu.memory_space<vmem>>
      tpu.wait_dma2 semaphore(%run_scoped3A_35 : memref<!tpu.dma_semaphore, #tpu.memory_space<semaphore_mem>>) src(%dma_wait3A_49 : memref<3200xf32, #tpu.memory_space<vmem>>) dst(%dma_wait3A_47 : memref<3200xf32, #tpu.memory_space<hbm>>)
      tpu.yield
    }) : () -> ()
    %run_scoped3A_34 = arith.constant 3 : i32
    "tpu.region"() ({
      %run_scoped3A_35 = tpu.sem_alloc : memref<!tpu.dma_semaphore, #tpu.memory_space<semaphore_mem>>
      %dma_start3A = arith.constant 9600 : i32
      %dma_start3A_36 = tpu.memref_slice %arg13[%dma_start3A] : memref<12800xf32, #tpu.memory_space<vmem>> -> memref<3200xf32, #tpu.memory_space<vmem>>
      %dma_start3A_37 = tpu.memref_slice %arg6[%run_scoped3A_34, %mul3A_2] : memref<4x102400xf32, #tpu.memory_space<hbm>> -> memref<1x3200xf32, #tpu.memory_space<hbm>>
      %dma_start3A_38 = tpu.memref_squeeze %dma_start3A_37 : memref<1x3200xf32, #tpu.memory_space<hbm>> -> memref<3200xf32, #tpu.memory_space<hbm>>
      %dma_start3A_39 = tpu.memref_slice %arg6[%run_scoped3A_34, %mul3A_2] : memref<4x102400xf32, #tpu.memory_space<hbm>> -> memref<1x3200xf32, #tpu.memory_space<hbm>>
      %dma_start3A_40 = tpu.memref_squeeze %dma_start3A_39 : memref<1x3200xf32, #tpu.memory_space<hbm>> -> memref<3200xf32, #tpu.memory_space<hbm>>
      %dma_start3A_41 = arith.constant 9600 : i32
      %dma_start3A_42 = tpu.memref_slice %arg13[%dma_start3A_41] : memref<12800xf32, #tpu.memory_space<vmem>> -> memref<3200xf32, #tpu.memory_space<vmem>>
      tpu.enqueue_dma source(%dma_start3A_42 : memref<3200xf32, #tpu.memory_space<vmem>>) target(%dma_start3A_40 : memref<3200xf32, #tpu.memory_space<hbm>>) target_semaphore(%run_scoped3A_35 : memref<!tpu.dma_semaphore, #tpu.memory_space<semaphore_mem>>)
      %dma_wait3A = arith.constant 9600 : i32
      %dma_wait3A_43 = tpu.memref_slice %arg13[%dma_wait3A] : memref<12800xf32, #tpu.memory_space<vmem>> -> memref<3200xf32, #tpu.memory_space<vmem>>
      %dma_wait3A_44 = tpu.memref_slice %arg6[%run_scoped3A_34, %mul3A_2] : memref<4x102400xf32, #tpu.memory_space<hbm>> -> memref<1x3200xf32, #tpu.memory_space<hbm>>
      %dma_wait3A_45 = tpu.memref_squeeze %dma_wait3A_44 : memref<1x3200xf32, #tpu.memory_space<hbm>> -> memref<3200xf32, #tpu.memory_space<hbm>>
      %dma_wait3A_46 = tpu.memref_slice %arg6[%run_scoped3A_34, %mul3A_2] : memref<4x102400xf32, #tpu.memory_space<hbm>> -> memref<1x3200xf32, #tpu.memory_space<hbm>>
      %dma_wait3A_47 = tpu.memref_squeeze %dma_wait3A_46 : memref<1x3200xf32, #tpu.memory_space<hbm>> -> memref<3200xf32, #tpu.memory_space<hbm>>
      %dma_wait3A_48 = arith.constant 9600 : i32
      %dma_wait3A_49 = tpu.memref_slice %arg13[%dma_wait3A_48] : memref<12800xf32, #tpu.memory_space<vmem>> -> memref<3200xf32, #tpu.memory_space<vmem>>
      tpu.wait_dma2 semaphore(%run_scoped3A_35 : memref<!tpu.dma_semaphore, #tpu.memory_space<semaphore_mem>>) src(%dma_wait3A_49 : memref<3200xf32, #tpu.memory_space<vmem>>) dst(%dma_wait3A_47 : memref<3200xf32, #tpu.memory_space<hbm>>)
      tpu.yield
    }) : () -> ()
    "tpu.region"() ({
      %run_scoped3A_35 = tpu.sem_alloc : memref<!tpu.dma_semaphore, #tpu.memory_space<semaphore_mem>>
      %dma_start3A = tpu.memref_slice %arg7[%mul3A_2] : memref<102400xf32, #tpu.memory_space<hbm>> -> memref<3200xf32, #tpu.memory_space<hbm>>
      %dma_start3A_36 = tpu.memref_slice %arg7[%mul3A_2] : memref<102400xf32, #tpu.memory_space<hbm>> -> memref<3200xf32, #tpu.memory_space<hbm>>
      tpu.enqueue_dma source(%arg14 : memref<3200xf32, #tpu.memory_space<vmem>>) target(%dma_start3A_36 : memref<3200xf32, #tpu.memory_space<hbm>>) target_semaphore(%run_scoped3A_35 : memref<!tpu.dma_semaphore, #tpu.memory_space<semaphore_mem>>)
      %dma_wait3A = tpu.memref_slice %arg7[%mul3A_2] : memref<102400xf32, #tpu.memory_space<hbm>> -> memref<3200xf32, #tpu.memory_space<hbm>>
      %dma_wait3A_37 = tpu.memref_slice %arg7[%mul3A_2] : memref<102400xf32, #tpu.memory_space<hbm>> -> memref<3200xf32, #tpu.memory_space<hbm>>
      tpu.wait_dma2 semaphore(%run_scoped3A_35 : memref<!tpu.dma_semaphore, #tpu.memory_space<semaphore_mem>>) src(%arg14 : memref<3200xf32, #tpu.memory_space<vmem>>) dst(%dma_wait3A_37 : memref<3200xf32, #tpu.memory_space<hbm>>)
      tpu.yield
    }) : () -> ()
    return
  }
}

module attributes {stable_mosaic.version = 14 : i64} {
  func.func @_tc_pass1(%arg0: i32, %arg1: memref<2048x128xf32, #tpu.memory_space<vmem>>, %arg2: memref<1x1x2048xi32, #tpu.memory_space<vmem>>, %arg3: memref<128x4xf32, #tpu.memory_space<vmem>>, %arg4: memref<1x4xf32, #tpu.memory_space<vmem>>, %arg5: memref<2048x4xf32, #tpu.memory_space<vmem>>, %arg6: memref<8x4xf32, #tpu.memory_space<vmem>>, %arg7: memref<512x4xf32, #tpu.memory_space<vmem>>) attributes {dimension_semantics = [#tpu.dimension_semantics<arbitrary>], iteration_bounds = array<i64: 50>, scalar_prefetch = 0 : i64, scratch_operands = 0 : i64, tpu.core_type = #tpu.core_type<tc>, window_params = [{transform_indices = @transform_0, window_bounds = array<i64: 2048, 128>}, {transform_indices = @transform_1, window_bounds = array<i64: 1, 1, 2048>}, {pipeline_mode = #tpu.pipeline_mode<synchronous>, transform_indices = @transform_2, window_bounds = array<i64: 128, 4>}, {pipeline_mode = #tpu.pipeline_mode<synchronous>, transform_indices = @transform_3, window_bounds = array<i64: 1, 4>}, {transform_indices = @transform_4, window_bounds = array<i64: 2048, 4>}, {pipeline_mode = #tpu.pipeline_mode<synchronous>, transform_indices = @transform_5, window_bounds = array<i64: 8, 4>}, {pipeline_mode = #tpu.pipeline_mode<synchronous>, transform_indices = @transform_6, window_bounds = array<i64: 512, 4>}]} {
    %eq3A = arith.constant 0 : i32
    %eq3A_0 = arith.cmpi eq, %arg0, %eq3A : i32
    %convert_element_type3A = arith.extui %eq3A_0 : i1 to i32
    %cond3A = arith.constant 0 : i32
    %cond3A_1 = arith.cmpi ne, %convert_element_type3A, %cond3A : i32
    scf.if %cond3A_1 {
      %broadcast_in_dim3A_48 = arith.constant 0xFF800000 : f32
      %broadcast_in_dim3A_49 = vector.broadcast %broadcast_in_dim3A_48 : f32 to vector<8x4xf32>
      %swap3A_50 = arith.constant 0 : index
      %swap3A_51 = arith.constant 0 : index
      %swap3A_52 = vector.load %arg6[%swap3A_50, %swap3A_51] : memref<8x4xf32, #tpu.memory_space<vmem>>, vector<8x4xf32>
      tpu.vector_store %arg6[%swap3A_50, %swap3A_51], %broadcast_in_dim3A_49 {strides = array<i32>} : memref<8x4xf32, #tpu.memory_space<vmem>>, vector<8x4xf32>,
      %broadcast_in_dim3A_53 = arith.constant 0.000000e+00 : f32
      %broadcast_in_dim3A_54 = vector.broadcast %broadcast_in_dim3A_53 : f32 to vector<512x4xf32>
      %swap3A_55 = arith.constant 0 : index
      %swap3A_56 = arith.constant 0 : index
      %swap3A_57 = vector.load %arg7[%swap3A_55, %swap3A_56] : memref<512x4xf32, #tpu.memory_space<vmem>>, vector<512x4xf32>
      tpu.vector_store %arg7[%swap3A_55, %swap3A_56], %broadcast_in_dim3A_54 {strides = array<i32>} : memref<512x4xf32, #tpu.memory_space<vmem>>, vector<512x4xf32>,
    } else {
    }
    %get3A = arith.constant 0 : index
    %get3A_2 = arith.constant 0 : index
    %get3A_3 = vector.load %arg1[%get3A, %get3A_2] : memref<2048x128xf32, #tpu.memory_space<vmem>>, vector<2048x128xf32>
    %get3A_4 = arith.constant 0 : index
    %get3A_5 = arith.constant 0 : index
    %get3A_6 = vector.load %arg3[%get3A_4, %get3A_5] : memref<128x4xf32, #tpu.memory_space<vmem>>, vector<128x4xf32>
    %dot_general3A = arith.constant dense<0.000000e+00> : vector<2048x4xf32>
    %dot_general3A_7 = tpu.matmul %get3A_3, %get3A_6, %dot_general3A {dimension_numbers = #tpu.dot_dimension_numbers<[1], [0], [0], [1], [0, 0, 1, 1], [], []>, transpose_lhs_hint = false} : vector<2048x128xf32>, vector<128x4xf32>, vector<2048x4xf32> -> vector<2048x4xf32>
    %get3A_8 = arith.constant 0 : index
    %get3A_9 = arith.constant 0 : index
    %get3A_10 = vector.load %arg4[%get3A_8, %get3A_9] : memref<1x4xf32, #tpu.memory_space<vmem>>, vector<1x4xf32>
    %add3A = vector.broadcast %get3A_10 : vector<1x4xf32> to vector<2048x4xf32>
    %add3A_11 = arith.addf %dot_general3A_7, %add3A : vector<2048x4xf32>
    %swap3A = arith.constant 0 : index
    %swap3A_12 = arith.constant 0 : index
    %swap3A_13 = vector.load %arg5[%swap3A, %swap3A_12] : memref<2048x4xf32, #tpu.memory_space<vmem>>, vector<2048x4xf32>
    tpu.vector_store %arg5[%swap3A, %swap3A_12], %add3A_11 {strides = array<i32>} : memref<2048x4xf32, #tpu.memory_space<vmem>>, vector<2048x4xf32>,
    %get3A_14 = arith.constant 0 : index
    %get3A_15 = arith.constant 0 : index
    %get3A_16 = vector.load %arg6[%get3A_14, %get3A_15] : memref<8x4xf32, #tpu.memory_space<vmem>>, vector<1x4xf32>
    %reduce_max3A = arith.constant dense<0xFF800000> : vector<4xf32>
    %reduce_max3A_17 = vector.multi_reduction <maximumf>, %add3A_11, %reduce_max3A [0] : vector<2048x4xf32> to vector<4xf32>
    %broadcast_in_dim3A = vector.shape_cast %reduce_max3A_17 : vector<4xf32> to vector<1x4xf32>
    %max3A = arith.maximumf %get3A_16, %broadcast_in_dim3A : vector<1x4xf32>
    %eq3A_18 = arith.cmpf oeq, %max3A, %get3A_16 : vector<1x4xf32>
    %sub3A = arith.subf %get3A_16, %max3A : vector<1x4xf32>
    %exp3A = math.exp %sub3A : vector<1x4xf32>
    %jit3A = arith.constant 1.000000e+00 : f32
    %broadcast_in_dim3A_19 = vector.broadcast %jit3A : f32 to vector<1x4xf32>
    %select_n3A = arith.select %eq3A_18, %broadcast_in_dim3A_19, %exp3A : vector<1x4xi1>, vector<1x4xf32>
    %sub3A_20 = vector.broadcast %max3A : vector<1x4xf32> to vector<2048x4xf32>
    %sub3A_21 = arith.subf %add3A_11, %sub3A_20 : vector<2048x4xf32>
    %exp3A_22 = math.exp %sub3A_21 : vector<2048x4xf32>
    %get3A_23 = arith.constant 0 : index
    %get3A_24 = arith.constant 0 : index
    %get3A_25 = arith.constant 0 : index
    %get3A_26 = vector.load %arg2[%get3A_23, %get3A_24, %get3A_25] : memref<1x1x2048xi32, #tpu.memory_space<vmem>>, vector<1x1x2048xi32>
    %get3A_27 = vector.shape_cast %get3A_26 : vector<1x1x2048xi32> to vector<2048xi32>
    %iota3A = tpu.iota {dimensions = array<i32: 0>} : vector<512x2048xi32>
    %broadcast_in_dim3A_28 = vector.shape_cast %get3A_27 : vector<2048xi32> to vector<1x2048xi32>
    %eq3A_29 = vector.broadcast %broadcast_in_dim3A_28 : vector<1x2048xi32> to vector<512x2048xi32>
    %eq3A_30 = arith.cmpi eq, %iota3A, %eq3A_29 : vector<512x2048xi32>
    %convert_element_type3A_31 = arith.extui %eq3A_30 : vector<512x2048xi1> to vector<512x2048xi32>
    %convert_element_type3A_32 = arith.sitofp %convert_element_type3A_31 : vector<512x2048xi32> to vector<512x2048xf32>
    %dot_general3A_33 = arith.constant dense<0.000000e+00> : vector<512x4xf32>
    %dot_general3A_34 = tpu.matmul %convert_element_type3A_32, %exp3A_22, %dot_general3A_33 {dimension_numbers = #tpu.dot_dimension_numbers<[1], [0], [0], [1], [0, 0, 1, 1], [], []>, transpose_lhs_hint = false} : vector<512x2048xf32>, vector<2048x4xf32>, vector<512x4xf32> -> vector<512x4xf32>
    %get3A_35 = arith.constant 0 : index
    %get3A_36 = arith.constant 0 : index
    %get3A_37 = vector.load %arg7[%get3A_35, %get3A_36] : memref<512x4xf32, #tpu.memory_space<vmem>>, vector<512x4xf32>
    %mul3A = vector.broadcast %select_n3A : vector<1x4xf32> to vector<512x4xf32>
    %mul3A_38 = arith.mulf %get3A_37, %mul3A : vector<512x4xf32>
    %add3A_39 = arith.addf %mul3A_38, %dot_general3A_34 : vector<512x4xf32>
    %swap3A_40 = arith.constant 0 : index
    %swap3A_41 = arith.constant 0 : index
    %swap3A_42 = vector.load %arg7[%swap3A_40, %swap3A_41] : memref<512x4xf32, #tpu.memory_space<vmem>>, vector<512x4xf32>
    tpu.vector_store %arg7[%swap3A_40, %swap3A_41], %add3A_39 {strides = array<i32>} : memref<512x4xf32, #tpu.memory_space<vmem>>, vector<512x4xf32>,
    %broadcast_in_dim3A_43 = vector.shape_cast %max3A : vector<1x4xf32> to vector<1x4xf32>
    %broadcast_in_dim3A_44 = vector.broadcast %broadcast_in_dim3A_43 : vector<1x4xf32> to vector<8x4xf32>
    %swap3A_45 = arith.constant 0 : index
    %swap3A_46 = arith.constant 0 : index
    %swap3A_47 = vector.load %arg6[%swap3A_45, %swap3A_46] : memref<8x4xf32, #tpu.memory_space<vmem>>, vector<8x4xf32>
    tpu.vector_store %arg6[%swap3A_45, %swap3A_46], %broadcast_in_dim3A_44 {strides = array<i32>} : memref<8x4xf32, #tpu.memory_space<vmem>>, vector<8x4xf32>,
    return
  }
  func.func @transform_0(%arg0: i32) -> (i32, i32) {
    %c0_i32 = arith.constant 0 : i32
    %c0_i32_0 = arith.constant 0 : i32
    return %arg0, %c0_i32 : i32, i32
  }
  func.func @transform_1(%arg0: i32) -> (i32, i32, i32) {
    %c0_i32 = arith.constant 0 : i32
    %c0_i32_0 = arith.constant 0 : i32
    %c0_i32_1 = arith.constant 0 : i32
    return %arg0, %c0_i32, %c0_i32_0 : i32, i32, i32
  }
  func.func @transform_2(%arg0: i32) -> (i32, i32) {
    %c0_i32 = arith.constant 0 : i32
    %c0_i32_0 = arith.constant 0 : i32
    %c0_i32_1 = arith.constant 0 : i32
    return %c0_i32, %c0_i32_0 : i32, i32
  }
  func.func @transform_3(%arg0: i32) -> (i32, i32) {
    %c0_i32 = arith.constant 0 : i32
    %c0_i32_0 = arith.constant 0 : i32
    %c0_i32_1 = arith.constant 0 : i32
    return %c0_i32, %c0_i32_0 : i32, i32
  }
  func.func @transform_4(%arg0: i32) -> (i32, i32) {
    %c0_i32 = arith.constant 0 : i32
    %c0_i32_0 = arith.constant 0 : i32
    return %arg0, %c0_i32 : i32, i32
  }
  func.func @transform_5(%arg0: i32) -> (i32, i32) {
    %c0_i32 = arith.constant 0 : i32
    %c0_i32_0 = arith.constant 0 : i32
    %c0_i32_1 = arith.constant 0 : i32
    return %c0_i32, %c0_i32_0 : i32, i32
  }
  func.func @transform_6(%arg0: i32) -> (i32, i32) {
    %c0_i32 = arith.constant 0 : i32
    %c0_i32_0 = arith.constant 0 : i32
    %c0_i32_1 = arith.constant 0 : i32
    return %c0_i32, %c0_i32_0 : i32, i32
  }
}

module attributes {stable_mosaic.version = 14 : i64} {
  func.func @_tc_pooled(%arg0: i32, %arg1: memref<2048x128xf32, #tpu.memory_space<vmem>>, %arg2: memref<1x1x2048xi32, #tpu.memory_space<vmem>>, %arg3: memref<2048x1xf32, #tpu.memory_space<vmem>>, %arg4: memref<512x128xf32, #tpu.memory_space<vmem>>) attributes {dimension_semantics = [#tpu.dimension_semantics<arbitrary>], iteration_bounds = array<i64: 50>, scalar_prefetch = 0 : i64, scratch_operands = 0 : i64, tpu.core_type = #tpu.core_type<tc>, window_params = [{transform_indices = @transform_0, window_bounds = array<i64: 2048, 128>}, {transform_indices = @transform_1, window_bounds = array<i64: 1, 1, 2048>}, {transform_indices = @transform_2, window_bounds = array<i64: 2048, 1>}, {pipeline_mode = #tpu.pipeline_mode<synchronous>, transform_indices = @transform_3, window_bounds = array<i64: 512, 128>}]} {
    %eq3A = arith.constant 0 : i32
    %eq3A_0 = arith.cmpi eq, %arg0, %eq3A : i32
    %convert_element_type3A = arith.extui %eq3A_0 : i1 to i32
    %cond3A = arith.constant 0 : i32
    %cond3A_1 = arith.cmpi ne, %convert_element_type3A, %cond3A : i32
    scf.if %cond3A_1 {
      %broadcast_in_dim3A_23 = arith.constant 0.000000e+00 : f32
      %broadcast_in_dim3A_24 = vector.broadcast %broadcast_in_dim3A_23 : f32 to vector<512x128xf32>
      %swap3A_25 = arith.constant 0 : index
      %swap3A_26 = arith.constant 0 : index
      %swap3A_27 = vector.load %arg4[%swap3A_25, %swap3A_26] : memref<512x128xf32, #tpu.memory_space<vmem>>, vector<512x128xf32>
      tpu.vector_store %arg4[%swap3A_25, %swap3A_26], %broadcast_in_dim3A_24 {strides = array<i32>} : memref<512x128xf32, #tpu.memory_space<vmem>>, vector<512x128xf32>,
    } else {
    }
    %get3A = arith.constant 0 : index
    %get3A_2 = arith.constant 0 : index
    %get3A_3 = arith.constant 0 : index
    %get3A_4 = vector.load %arg2[%get3A, %get3A_2, %get3A_3] : memref<1x1x2048xi32, #tpu.memory_space<vmem>>, vector<1x1x2048xi32>
    %get3A_5 = vector.shape_cast %get3A_4 : vector<1x1x2048xi32> to vector<2048xi32>
    %iota3A = tpu.iota {dimensions = array<i32: 0>} : vector<512x2048xi32>
    %broadcast_in_dim3A = vector.shape_cast %get3A_5 : vector<2048xi32> to vector<1x2048xi32>
    %eq3A_6 = vector.broadcast %broadcast_in_dim3A : vector<1x2048xi32> to vector<512x2048xi32>
    %eq3A_7 = arith.cmpi eq, %iota3A, %eq3A_6 : vector<512x2048xi32>
    %convert_element_type3A_8 = arith.extui %eq3A_7 : vector<512x2048xi1> to vector<512x2048xi32>
    %convert_element_type3A_9 = arith.sitofp %convert_element_type3A_8 : vector<512x2048xi32> to vector<512x2048xf32>
    %get3A_10 = arith.constant 0 : index
    %get3A_11 = arith.constant 0 : index
    %get3A_12 = vector.load %arg1[%get3A_10, %get3A_11] : memref<2048x128xf32, #tpu.memory_space<vmem>>, vector<2048x128xf32>
    %get3A_13 = arith.constant 0 : index
    %get3A_14 = arith.constant 0 : index
    %get3A_15 = vector.load %arg3[%get3A_13, %get3A_14] : memref<2048x1xf32, #tpu.memory_space<vmem>>, vector<2048x1xf32>
    %mul3A = vector.broadcast %get3A_15 : vector<2048x1xf32> to vector<2048x128xf32>
    %mul3A_16 = arith.mulf %get3A_12, %mul3A : vector<2048x128xf32>
    %get3A_17 = arith.constant 0 : index
    %get3A_18 = arith.constant 0 : index
    %get3A_19 = vector.load %arg4[%get3A_17, %get3A_18] : memref<512x128xf32, #tpu.memory_space<vmem>>, vector<512x128xf32>
    %dot_general3A = arith.constant dense<0.000000e+00> : vector<512x128xf32>
    %dot_general3A_20 = tpu.matmul %convert_element_type3A_9, %mul3A_16, %dot_general3A {dimension_numbers = #tpu.dot_dimension_numbers<[1], [0], [0], [1], [0, 0, 1, 1], [], []>, transpose_lhs_hint = false} : vector<512x2048xf32>, vector<2048x128xf32>, vector<512x128xf32> -> vector<512x128xf32>
    %add3A = arith.addf %get3A_19, %dot_general3A_20 : vector<512x128xf32>
    %swap3A = arith.constant 0 : index
    %swap3A_21 = arith.constant 0 : index
    %swap3A_22 = vector.load %arg4[%swap3A, %swap3A_21] : memref<512x128xf32, #tpu.memory_space<vmem>>, vector<512x128xf32>
    tpu.vector_store %arg4[%swap3A, %swap3A_21], %add3A {strides = array<i32>} : memref<512x128xf32, #tpu.memory_space<vmem>>, vector<512x128xf32>,
    return
  }
  func.func @transform_0(%arg0: i32) -> (i32, i32) {
    %c0_i32 = arith.constant 0 : i32
    %c0_i32_0 = arith.constant 0 : i32
    return %arg0, %c0_i32 : i32, i32
  }
  func.func @transform_1(%arg0: i32) -> (i32, i32, i32) {
    %c0_i32 = arith.constant 0 : i32
    %c0_i32_0 = arith.constant 0 : i32
    %c0_i32_1 = arith.constant 0 : i32
    return %arg0, %c0_i32, %c0_i32_0 : i32, i32, i32
  }
  func.func @transform_2(%arg0: i32) -> (i32, i32) {
    %c0_i32 = arith.constant 0 : i32
    %c0_i32_0 = arith.constant 0 : i32
    return %arg0, %c0_i32 : i32, i32
  }
  func.func @transform_3(%arg0: i32) -> (i32, i32) {
    %c0_i32 = arith.constant 0 : i32
    %c0_i32_0 = arith.constant 0 : i32
    %c0_i32_1 = arith.constant 0 : i32
    return %c0_i32, %c0_i32_0 : i32, i32
  }
}

</mosaic_0001>

<sc_bundles>
// kernel: kernel.5.cloned.1.call-start
scs
__scs_entry_jumppad:
0x0: {  	(pc) =	sbr.rel $0x88, $3  }
0x1: {  	(tag) =	ssettag $0x0;
	lr =	simm.s32 $0x1  }
0x2: {  	[smem:$0x3F9C] =	sst lr;
	_ =	strace $0xD0000000  }
0x3: {  	_ = 	snop  }
0x4: {  	_ = 	snop  }
0x5: {  	_ = 	snop  }
0x6: {  	_ = 	snop  }
0x7: {  	_ = 	snop  }
__scs_overlays_trampoline_lowered:
0x8: {  	[smem:$0x3FAB] =	sst s0  }
0x9: {  	[smem:$0x3FAC] =	sst s1  }
0xa: {  	[smem:$0x3FAD] =	sst s2  }
0xb: {  	[smem:$0x3FAE] =	sst s3  }
0xc: {  	[smem:$0x3FAF] =	sst s4  }
0xd: {  	[smem:$0x3FB0] =	sst s5  }
0xe: {  	[smem:$0x3FB1] =	sst s6  }
0xf: {  	[smem:$0x3FB2] =	sst s7  }
0x10: {  	[smem:$0x3FB3] =	sst s8  }
0x11: {  	[smem:$0x3FB4] =	sst s9;
	s0 =	simm.s32 @!p0 $0x0  }
0x12: {  	s1 =	sld [smem:$0x3F9A];
	s0 =	simm.s32 @p0 $0x1  }
0x13: {  	[smem:$0x3FB5] =	sst s0;
	s0 =	simm.s32 @!p1 $0x0  }
0x14: {  	s2 =	sld [smem:$0x3F99];
	s0 =	simm.s32 @p1 $0x1  }
0x15: {  	[smem:$0x3FB6] =	sst s0;
	s0 =	simm.s32 @!p2 $0x0  }
0x16: {  	s3 =	sld [smem:$0x3FDB];
	s0 =	simm.s32 @p2 $0x1  }
0x17: {  	s4 =	simm.s32 $0x1BF5;
	[smem:$0x3FB8] =	sst s0  }
0x18: {  	s0 =	sld [smem:$0x3F9B];
	_ =	swait.ge [sflag:s4], $0x0  }
0x19: {  	s7 =	sld [smem:$0x3F9C]  }
0x1a: {  	s8 =	sadd.s32 $0xFFFFE003, lr  }
0x1b: {  	s9 =	sadd.s32 $0xFFFFFEF7, lr;
	s5 =	simm.s32 $0xFFFFFFFF;
	p2 =	slt.u32 s8, $0xFFFFF086  }
0x1c: {  	p1 =	slt.u32 s9, $0xF7A;
	s5 =	simm.s32 @!p2 $0x0  }
0x1d: {  	s5 =	simm.s32 @p1 $0x1;
	p0 =	seq.s32 s7, s2  }
0x1e: {  	s7 =	smul.u32 @!p0 $0xF7A, s2;
	p2 =	seq.s32 @!p0 s5, $0x0  }
0x1f: {  	s9 =	smul.u32 $0xF7A, s1;
	s8 =	simm.s32 @!p0 $0x1BF5;
	p2 =	por !p2, p0  }
0x20: {  	[sflag:s8] =	ssyncset.s32 @!p0 $0xFFFFF086;
	s6 =	sadd.s32 @!p0 s3, s7;
	s7 =	simm.s32 @!p0 $0x108  }
0x21: {  	s3 =	sadd.s32 s3, s9;
	s6 =	sadd.s32 @!p0 $0x88, s6;
	s7 =	simm.s32 @p2 $0x1082  }
0x22: {  	[simem:s7], [sflag:s8] =	dma.local @!p0 [hbm:s6], $0xF7A  }
0x23: {  	s9 =	sor.u32 $0xD0000000, s2;
	s6 =	simm.s32 $0x108;
	_ =	swait.ge @!p0 [sflag:s8], $0x0  }
0x24: {  	s3 =	sadd.s32 $0x88, s3;
	s6 =	simm.s32 @!p1 $0x1082;
	[sflag:s4] =	ssyncset.s32 $0xFFFFF086  }
0x25: {  	[simem:s6], [sflag:s4] =	dma.local [hbm:s3], $0xF7A  }
0x26: {  	[smem:$0x3F9C] =	sst s1;
	(tag) =	ssettag s2;
	_ =	strace s9  }
0x27: {  	s1 =	sld [smem:$0x3FAC]  }
0x28: {  	s2 =	sld [smem:$0x3FAD]  }
0x29: {  	s4 =	sld [smem:$0x3FAF]  }
0x2a: {  	p0 =	seq.s32 s5, $0x0;
	s5 =	sld [smem:$0x3FB0]  }
0x2b: {  	s6 =	sld [smem:$0x3FB1]  }
0x2c: {  	s7 =	sld [smem:$0x3FB2]  }
0x2d: {  	s3 =	simm.s32 $0x108;
	s8 =	sld [smem:$0x3FB3]  }
0x2e: {  	s3 =	simm.s32 @!p0 $0x1082;
	s9 =	sld [smem:$0x3FB4]  }
0x2f: {  	lr =	sadd.s32 s0, s3;
	s0 =	sld [smem:$0x3FAB]  }
0x30: {  	s3 =	sld [smem:$0x3FAE]  }
0x31: {  	[smem:$0x3FB7] =	sst s10  }
0x32: {  	s10 =	sld [smem:$0x3FB5];
	_ =	sdelay $0x3  }
0x33: {  	p0 =	seq.s32 s10, $0x1;
	s10 =	sld [smem:$0x3FB7];
	_ =	sdelay $0x3  }
0x34: {  	[smem:$0x3FB7] =	sst s10  }
0x35: {  	s10 =	sld [smem:$0x3FB6];
	_ =	sdelay $0x3  }
0x36: {  	p1 =	seq.s32 s10, $0x1;
	s10 =	sld [smem:$0x3FB7];
	_ =	sdelay $0x3  }
0x37: {  	[smem:$0x3FB7] =	sst s10  }
0x38: {  	s10 =	sld [smem:$0x3FB8]  }
0x39: {  	_ = 	snop;
	(pc) =	sbr.ind lr, $3  }
0x3a: {  	_ = 	snop  }
0x3b: {  	_ = 	snop  }
0x3c: {  	p2 =	seq.s32 s10, $0x1;
	s10 =	sld [smem:$0x3FB7]  }
0x3d: {  	_ =	shalt  }
0x3e: {  	_ =	shalt  }
0x3f: {  	_ =	shalt  }
0x40: {  	_ =	shalt  }
0x41: {  	_ =	shalt  }
0x42: {  	_ =	shalt  }
0x43: {  	_ =	shalt  }
0x44: {  	_ =	shalt  }
0x45: {  	_ =	shalt  }
0x46: {  	_ =	shalt  }
0x47: {  	_ =	shalt  }
0x48: {  	_ =	shalt  }
0x49: {  	_ =	shalt  }
0x4a: {  	_ =	shalt  }
0x4b: {  	_ =	shalt  }
0x4c: {  	_ =	shalt  }
0x4d: {  	_ =	shalt  }
0x4e: {  	_ =	shalt  }
0x4f: {  	_ =	shalt  }
0x50: {  	_ =	shalt  }
0x51: {  	_ =	shalt  }
0x52: {  	_ =	shalt  }
0x53: {  	_ =	shalt  }
0x54: {  	_ =	shalt  }
0x55: {  	_ =	shalt  }
0x56: {  	_ =	shalt  }
0x57: {  	_ =	shalt  }
0x58: {  	_ =	shalt  }
0x59: {  	_ =	shalt  }
0x5a: {  	_ =	shalt  }
0x5b: {  	_ =	shalt  }
0x5c: {  	_ =	shalt  }
0x5d: {  	_ =	shalt  }
0x5e: {  	_ =	shalt  }
0x5f: {  	_ =	shalt  }
0x60: {  	_ =	shalt  }
0x61: {  	_ =	shalt  }
0x62: {  	_ =	shalt  }
0x63: {  	_ =	shalt  }
0x64: {  	_ =	shalt  }
0x65: {  	_ =	shalt  }
0x66: {  	_ =	shalt  }
0x67: {  	_ =	shalt  }
0x68: {  	_ =	shalt  }
0x69: {  	_ =	shalt  }
0x6a: {  	_ =	shalt  }
0x6b: {  	_ =	shalt  }
0x6c: {  	_ =	shalt  }
0x6d: {  	_ =	shalt  }
0x6e: {  	_ =	shalt  }
0x6f: {  	_ =	shalt  }
0x70: {  	_ =	shalt  }
0x71: {  	_ =	shalt  }
0x72: {  	_ =	shalt  }
0x73: {  	_ =	shalt  }
0x74: {  	_ =	shalt  }
0x75: {  	_ =	shalt  }
0x76: {  	_ =	shalt  }
0x77: {  	_ =	shalt  }
0x78: {  	_ =	shalt  }
0x79: {  	_ =	shalt  }
0x7a: {  	_ =	shalt  }
0x7b: {  	_ =	shalt  }
0x7c: {  	_ =	shalt  }
0x7d: {  	_ =	shalt  }
0x7e: {  	_ =	shalt  }
0x7f: {  	_ =	shalt  }
0x80: {  	_ =	shalt  }
0x81: {  	_ =	shalt  }
0x82: {  	_ =	shalt  }
0x83: {  	_ =	shalt  }
0x84: {  	_ =	shalt  }
0x85: {  	_ =	shalt  }
0x86: {  	_ =	shalt  }
0x87: {  	_ =	shalt  }
.Lfunc_end0:
.L_simem_size_0:
called_computation_lowered:
.L_overlay_start_0:
0x88: {  	s2 =	sld [smem:$0x3FD9]  }
0x89: {  	s3 =	sld [smem:$0x3FFE];
	_ =	sdelay $0x1  }
0x8a: {  	s1 =	srdreg.scid  }
0x8b: {  	s0 =	sand.u32 $0x1, s1  }
0x8c: {  	s14 =	sshll.u32 s0, $0xA;
	s2 =	sadd.s32 s3, s2  }
0x8d: {  	s2 =	sadd.s32 s2, s14  }
0x8e: {  	[smem:$0x3FC3] =	sst s2  }
0x8f: {  	_ = 	snop  }
0x90: {  	s2 =	sld [smem:$0x3FD0];
	_ =	sdelay $0x2  }
0x91: {  	s15 =	simm.s32 $0xA;
	s4 =	simm.s32 $0x10  }
0x92: {  	[smem:s4], [sflag:s15] =	dma.local [hbm:s2], $0x1  }
0x93: {  	_ =	swait.eq [sflag:s15], $0x1  }
0x94: {  	[sflag:s15] =	ssyncset.done $0x0  }
0x95: {  	s16 =	sld [smem:$0x10];
	[sflag:s15] =	ssyncadd.s32 $0xFFFFFFFF  }
0x96: {  	s17 =	sld [smem:$0x11];
	(tm) =	ssettm $0x1  }
0x97: {  	s18 =	sld [smem:$0x3FFB];
	_ =	sdelay $0x3  }
0x98: {  	_ =	strace s18  }
0x99: {  	s4 =	sld [smem:$0x3FFC];
	_ =	sdelay $0x3  }
0x9a: {  	_ =	strace s4  }
0x9b: {  	s4 =	sld [smem:$0x3FFD];
	_ =	sdelay $0x3  }
0x9c: {  	_ =	strace s4  }
0x9d: {  	_ =	strace $0x8FFFFFFF  }
0x9e: {  	s19 =	sld [smem:$0x3FDB];
	_ =	sdelay $0x1  }
0x9f: {  	s5 =	simm.s32 $_scs_section_size  }
0xa0: {  	s6 =	simm.s32 $_size__tile_overlayer_lowered;
	s7 =	simm.s32 $_tile_overlayer_lowered  }
0xa1: {  	s22 =	simm.s32 $0x1BFF;
	s21 =	sshll.u32 s7, $0x1;
	s4 =	sadd.s32 s5, s19  }
0xa2: {  	s8 =	simm.s32 $0x0;
	s20 =	sshll.u32 s6, $0x1;
	s6 =	sadd.s32 s21, s4  }
0xa3: {  	[timem:s8], [sflag:s22] =	dma.local [hbm:s6], s20  }
0xa4: {  	_ =	swait.ge [sflag:s22], s20  }
0xa5: {  	s5 =	ssub.s32 $0x0, s20;
	[sflag:s22] =	ssyncset.done $0x0  }
0xa6: {  	[sflag:s22] =	ssyncadd.s32 s5;
	_ =	sdelay $0x1  }
0xa7: {  	s23 =	simm.s32 $0x1B8B  }
0xa8: {  	_ =	swait.ge [sflag:s23], $0x1  }
0xa9: {  	[sflag:s23] =	ssyncset.done $0x0  }
0xaa: {  	s25 =	simm.s32 $0x1B8E;
	s24 =	sld [smem:$0x3FFE];
	[sflag:s23] =	ssyncadd.s32 $0xFFFFFFFF  }
0xab: {  	s26 =	simm.s32 $execute0_lowered;
	[smem:$0x3FD2] =	sst s25  }
0xac: {  	s6 =	sshll.u32 s26, $0x1;
	_ =	strace $0x80000046;
	[dreg:$0x1] =	wrdreg $0xFFFFFFFF  }
0xad: {  	s28 =	simm.s32 $_size_execute0_lowered;
	s4 =	sadd.s32 s4, s6;
	[dreg:$0x0] =	wrdreg $0x0  }
0xae: {  	s6 =	sshll.u32 s28, $0x1;
	[dreg:$0x2] =	wrdreg s4  }
0xaf: {  	[dreg:$0x3] =	wrdreg s6  }
0xb0: {  	[dreg:$0x4] =	wrdreg $0xC0  }
0xb1: {  	_ =	task [dreg:s8], $0x5FFFF  }
0xb2: {  	[dreg:$0x1] =	wrdreg $0xFFFFFFFF  }
0xb3: {  	[dreg:$0x0] =	wrdreg $0x60  }
0xb4: {  	[dreg:$0x2] =	wrdreg s24  }
0xb5: {  	[dreg:$0x3] =	wrdreg s17  }
0xb6: {  	[dreg:$0x4] =	wrdreg s16  }
0xb7: {  	[dreg:$0x5] =	wrdreg $0x9  }
0xb8: {  	_ =	task.clear_ibuf [dreg:s8], $0x6FFFF;
	_ =	strace $0x90000046  }
0xb9: {  	s29 =	simm.s32 $0x9;
	_ =	strace $0x80000048  }
0xba: {  	_ =	swait.ge [sflag:s29], $0x1  }
0xbb: {  	[sflag:s29] =	ssyncadd.s32 $0xFFFFFFFF  }
0xbc: {  	_ =	strace $0x90000048  }
0xbd: {  	_ =	sfence  }
0xbe: {  	s30 =	sld [smem:$0x0];
	_ =	sdelay $0x2  }
0xbf: {  	s31 =	sshll.u32 s1, $0xD;
	s1 =	sshrl.u32 s1, $0x2  }
0xc0: {  	s3 =	sand.u32 $0x4000, s31;
	s1 =	sadd.s32 s1, s30  }
0xc1: {  	s0 =	sor.u32 s3, s0;
	s1 =	sshll.u32 s1, $0x11  }
0xc2: {  	s0 =	sor.u32 s1, s0  }
0xc3: {  	s0 =	sadd.s32 $0x8F2B, s0  }
0xc4: {  	[sflag:s0] =	ssyncadd.remote.s32 $0x1  }
0xc5: {  	_ =	sfence.sel $0xFFFF  }
0xc6: {  	[dreg:$0x0] =	wrdreg $0xFFFFFFFF;
	(pc) =	sbr.abs _section_cstart, $3  }
0xc7: {  	[dreg:$0x1] =	wrdreg $0xFFFFFFFF  }
0xc8: {  	_ =	task.clear_ibuf [dreg:s8], $0x2FFFF;
	_ =	strace $0x9FFFFFFF  }
0xc9: {  	(tm) =	ssettm $0x7FFFFFFF  }
tec
execute0_lowered:
.L_overlay_start_1:
0x0: {  	(tag) =	ssettag $0x1  }
0x1: {  	s1 =	rddreg [dreg:$0x0]  }
0x2: {  	s0 =	srdreg.scid;
	s2 =	rddreg [dreg:$0x1]  }
0x3: {  	s3 =	rddreg [dreg:$0x2];
	s13 =	simm.s32 $0x1;
	s14 =	simm.s32 $0x3200  }
0x4: {  	s15 =	simm.s32 $0x3E80;
	s16 =	simm.s32 $0x3F00;
	s17 =	simm.s32 $0x4700  }
0x5: {  	s18 =	simm.s32 $0x80;
	s19 =	simm.s32 $0x200;
	s5 =	sand.u32 $0x1, s0  }
0x6: {  	s20 =	simm.s32 $0x4F80;
	s0 =	stileid.u32;
	s4 =	sshll.u32 s5, $0x4  }
0x7: {  	s21 =	simm.s32 $0x5C00;
	s22 =	simm.s32 $0x6880;
	s6 =	sor.u32 s0, s4  }
0x8: {  	s23 =	simm.s32 $0x7500;
	s24 =	simm.s32 $0x8180;
	s7 =	smul.u32 $0x640, s6  }
0x9: {  	s9 =	ssub.s32 $0x2, s5;
	s4 =	simm.s32 $0x0;
	s6 =	smul.u32 $0x190, s6  }
0xa: {  	s25 =	simm.s32 $0x0;
	s11 =	sshrl.u32 s9, $0x1;
	[smem:$0x7FF] =	sst s4  }
0xb: {  	v2 =	vlaneseq.u32;
	_ =	strace $0x80000047;
	s10 =	sadd.s32 s7, s1;
	s1 =	sadd.s32 s6, s1  }
0xc: {  	v0 =	vimm.f32 $0.0e+00;
	v1 =	vimm.s32 $0x4;
	v2 =	vmul.u32 $0x4, v2;
	s5 =	sadd.s32 $0x324000, s10;
	s6 =	sadd.s32 $0xE00, s1;
	s7 =	sadd.s32 $0x194000, s10  }
0xd: {  	v3 =	vimm.s32 $0x5;
	v4 =	vimm.s32 $0x6;
	v5 =	vimm.s32 $0x7;
	s12 =	ssub.s32 s9, s11;
	s8 =	sadd.s32 $0x194010, s10;
	s9 =	sadd.s32 $0x194020, s10  }
0xe: {  	v6 =	vor.u32 $0x1, v2;
	v7 =	vor.u32 $0x2, v2;
	v8 =	vor.u32 $0x3, v2;
	s12 =	smax.u32 s12, $0x1;
	s10 =	sadd.s32 $0x194030, s10;
	s11 =	sadd.s32 $0x1A0800, s1  }
.LBB2_1:
0xf: {  	[tilespmem:s4], [sflag:$0x1] =	stream.linear.gather [hbm4b:s5+s4], $0x3200, $0x38;
	[tilespmem:$0x8E00] =	vst v63  }
0x10: {  	_ =	swait.ge [sflag:s13], $0x3200  }
0x11: {  	[sflag:s13] =	ssyncset.done $0x0  }
0x12: {  	[sflag:s13] =	ssyncadd.s32 $0xFFFFCE00  }
0x13: {  	[tilespmem:s14], [sflag:$0x1] =	stream.linear.gather [hbm4b:s6+s4], $0xC80, $0x38;
	[tilespmem:$0x8E00] =	vst v63  }
0x14: {  	_ =	swait.ge [sflag:s13], $0xC80  }
0x15: {  	[sflag:s13] =	ssyncset.done $0x0  }
0x16: {  	[sflag:s13] =	ssyncadd.s32 $0xFFFFF380  }
0x17: {  	[tilespmem:s15], [sflag:$0x1] =	stream.linear.gather [hbm4b:s2+s4], $0x80, $0x38;
	[tilespmem:$0x8E00] =	vst v63  }
0x18: {  	_ =	swait.ge [sflag:s13], $0x80  }
0x19: {  	[sflag:s13] =	ssyncset.done $0x0  }
0x1a: {  	[sflag:s13] =	ssyncadd.s32 $0xFFFFFF80  }
0x1b: {  	[tilespmem:s16], [sflag:$0x1] =	stream.linear.gather [hbm4b:s3+s4], $0x800, $0x38;
	[tilespmem:$0x8E00] =	vst v63  }
0x1c: {  	_ =	swait.ge [sflag:s13], $0x800  }
0x1d: {  	[sflag:s13] =	ssyncset.done $0x0  }
0x1e: {  	s1 =	simm.s32 $0x0;
	[sflag:s13] =	ssyncadd.s32 $0xFFFFF800  }
0x1f: {  	v9 =	vld [tilespmem:s1+$0x3F00];
	_ =	sdelay $0x4  }
0x20: {  	s26 =	simm.s32 $0x10;
	v10 =	vmax.f32 v9, $1.000000020e-16  }
0x21: {  	v9 =	vld [tilespmem:s26+$0x3F00];
	(erf) = vrcp.f32 v10;
	_ =	sdelay $0x3  }
0x22: {  	s28 =	simm.s32 $0x80  }
.LBB2_2:
0x23: {  	s29 =	sshra.s32 s28, $0x2;
	p0 =	sne.s32 s28, $0x1FC0;
	s28 =	sadd.s32 $0x40, s28;
	v10 =	vmax.f32 v9, $1.000000020e-16  }
.Ltmp0:
0x24: {  	v9 =	vld [tilespmem:s29+$0x3F00];
	(erf) = vrcp.f32 v10;
	(pc) =	sbr.rel @p0 .LBB2_2-.Ltmp0, $3  }
0x25: {  	_ =	sdelay $0x1  }
0x26: {  	v10 =	vpop (erf)  }
0x27: {  	[tilespmem:s1+$0x4700] =	vst v10;
	s1 =	smov.u32 s26;
	s26 =	smov.u32 s29  }
0x28: {  	v9 =	vmax.f32 v9, $1.000000020e-16  }
0x29: {  	(erf) = vrcp.f32 v9;
	_ =	sdelay $0x6  }
0x2a: {  	s28 =	simm.s32 $0x0  }
0x2b: {  	v10 =	vor.u32 s28, v2;
	v9 =	vpop (erf)  }
0x2c: {  	[tilespmem:s1+$0x4700] =	vst v9;
	v9 =	vpop (erf)  }
0x2d: {  	[tilespmem:s26+$0x4700] =	vst v9  }
0x2e: {  	[tilespmem:$0x4F00] =	vst v0  }
0x2f: {  	v11 =	vld.idx.msk [tilespmem:v1+s15+$0x0], $0xffff  }
0x30: {  	v9 =	vld.idx.msk [tilespmem:v10+s4+$0x0], $0xffff;
	_ =	sdelay $0x2  }
0x31: {  	s26 =	simm.s32 $0x0  }
0x32: {  	v10 =	vld [tilespmem:s26+$0x3200]  }
0x33: {  	v9 =	vsub.f32 v9, v11;
	_ =	sdelay $0x1  }
0x34: {  	v9 =	vmul.f32 $1.442695020e+00, v9;
	_ =	sdelay $0x1  }
0x35: {  	v13 =	vshll.u32 v10, $0x2;
	(erf) = vpow2.f32 v9;
	_ =	sdelay $0x4  }
0x36: {  	v9 =	vld.idx.msk [tilespmem:v13+s17+$0x0], $0xffff;
	_ =	sdelay $0x2  }
0x37: {  	v14 =	vor.u32 s28, v6  }
0x38: {  	v15 =	vpop (erf)  }
0x39: {  	v12 =	vld.idx.msk [tilespmem:v3+s15+$0x0], $0xffff;
	v15 =	vmul.f32 v15, v9  }
0x3a: {  	v10 =	vld.idx.msk [tilespmem:v4+s15+$0x0], $0xffff  }
0x3b: {  	v9 =	vld.idx.msk [tilespmem:v5+s15+$0x0], $0xffff;
	[tilespmem:s26+$0x4F80] =	vst v15  }
0x3c: {  	v14 =	vld.idx.msk [tilespmem:v14+s4+$0x0], $0xffff;
	_ =	sdelay $0x4  }
0x3d: {  	v14 =	vsub.f32 v14, v12;
	_ =	sdelay $0x1  }
0x3e: {  	v14 =	vmul.f32 $1.442695020e+00, v14;
	_ =	sdelay $0x1  }
0x3f: {  	v16 =	vor.u32 $0x1, v13;
	(erf) = vpow2.f32 v14;
	_ =	sdelay $0x4  }
0x40: {  	v14 =	vld.idx.msk [tilespmem:v16+s17+$0x0], $0xffff;
	_ =	sdelay $0x2  }
0x41: {  	v60 =	vor.u32 s28, v7  }
0x42: {  	v17 =	vpop (erf)  }
0x43: {  	v14 =	vmul.f32 v17, v14  }
0x44: {  	s31 =	sand.u32 $0xFF0, s28  }
0x45: {  	[tilespmem:s31+$0x5C00] =	vst v14  }
0x46: {  	v16 =	vld.idx.msk [tilespmem:v60+s4+$0x0], $0xffff;
	_ =	sdelay $0x4  }
0x47: {  	v16 =	vsub.f32 v16, v10;
	_ =	sdelay $0x1  }
0x48: {  	v16 =	vmul.f32 $1.442695020e+00, v16;
	_ =	sdelay $0x1  }
0x49: {  	v61 =	vor.u32 $0x2, v13;
	(erf) = vpow2.f32 v16;
	_ =	sdelay $0x4  }
0x4a: {  	v62 =	vld.idx.msk [tilespmem:v61+s17+$0x0], $0xffff;
	_ =	sdelay $0x2  }
0x4b: {  	v63 =	vor.u32 s28, v8  }
0x4c: {  	v18 =	vpop (erf)  }
0x4d: {  	v16 =	vmul.f32 v18, v62;
	_ =	sdelay $0x1  }
0x4e: {  	[tilespmem:s31+$0x6880] =	vst v16  }
0x4f: {  	v17 =	vld.idx.msk [tilespmem:v63+s4+$0x0], $0xffff;
	_ =	sdelay $0x4  }
0x50: {  	v17 =	vsub.f32 v17, v9;
	_ =	sdelay $0x1  }
0x51: {  	v17 =	vmul.f32 $1.442695020e+00, v17;
	_ =	sdelay $0x1  }
0x52: {  	v13 =	vor.u32 $0x3, v13;
	(erf) = vpow2.f32 v17;
	_ =	sdelay $0x4  }
0x53: {  	v15 =	vadd.f32 $0.0e+00, v15;
	v13 =	vld.idx.msk [tilespmem:v13+s17+$0x0], $0xffff;
	_ =	sdelay $0x2  }
0x54: {  	v14 =	vadd.f32 v14, v15  }
0x55: {  	v15 =	vpop (erf)  }
0x56: {  	v14 =	vadd.f32 v16, v14;
	v15 =	vmul.f32 v15, v13  }
0x57: {  	s28 =	simm.s32 $0x40  }
0x58: {  	v13 =	vor.u32 s28, v2;
	v14 =	vadd.f32 v15, v14;
	_ =	sdelay $0x1  }
0x59: {  	s29 =	simm.s32 $0x10;
	s30 =	simm.s32 $0x20;
	[tilespmem:s31+$0x7500] =	vst v15;
	v14 =	vmul.f32 $2.500000000e-01, v14  }
.LBB2_4:
0x5a: {  	_ = 	snop  }
0x5b: {  	p0 =	sne.s32 s30, $0xC70;
	s1 =	smov.u32 s30;
	s30 =	sadd.s32 $0x10, s30;
	[tilespmem:s26+$0x8180] =	vst v14  }
0x5c: {  	v13 =	vld.idx.msk [tilespmem:v13+s4+$0x0], $0xffff;
	_ =	sdelay $0x2  }
0x5d: {  	s26 =	sshra.s32 s28, $0x2  }
0x5e: {  	v14 =	vld [tilespmem:s26+$0x3200];
	_ =	sdelay $0x1  }
0x5f: {  	v13 =	vsub.f32 v13, v11;
	_ =	sdelay $0x1  }
0x60: {  	v13 =	vmul.f32 $1.442695020e+00, v13  }
0x61: {  	v14 =	vshll.u32 v14, $0x2  }
0x62: {  	(erf) = vpow2.f32 v13;
	_ =	sdelay $0x3  }
0x63: {  	v13 =	vld.idx.msk [tilespmem:v14+s17+$0x0], $0xffff;
	_ =	sdelay $0x3  }
0x64: {  	v15 =	vor.u32 s28, v6  }
0x65: {  	v16 =	vpop (erf)  }
0x66: {  	v13 =	vmul.f32 v16, v13;
	_ =	sdelay $0x1  }
0x67: {  	[tilespmem:s26+$0x4F80] =	vst v13  }
0x68: {  	v15 =	vld.idx.msk [tilespmem:v15+s4+$0x0], $0xffff;
	_ =	sdelay $0x5  }
0x69: {  	v15 =	vsub.f32 v15, v12;
	_ =	sdelay $0x1  }
0x6a: {  	v15 =	vmul.f32 $1.442695020e+00, v15  }
0x6b: {  	v16 =	vor.u32 $0x1, v14  }
0x6c: {  	(erf) = vpow2.f32 v15;
	_ =	sdelay $0x3  }
0x6d: {  	v15 =	vld.idx.msk [tilespmem:v16+s17+$0x0], $0xffff;
	_ =	sdelay $0x3  }
0x6e: {  	v16 =	vor.u32 s28, v7  }
0x6f: {  	v17 =	vpop (erf)  }
0x70: {  	v15 =	vmul.f32 v17, v15  }
0x71: {  	s31 =	sand.u32 $0xFF0, s29;
	s29 =	smov.u32 s1  }
0x72: {  	[tilespmem:s31+$0x5C00] =	vst v15  }
0x73: {  	v16 =	vld.idx.msk [tilespmem:v16+s4+$0x0], $0xffff;
	_ =	sdelay $0x5  }
0x74: {  	v16 =	vsub.f32 v16, v10;
	_ =	sdelay $0x1  }
0x75: {  	v16 =	vmul.f32 $1.442695020e+00, v16  }
0x76: {  	v17 =	vor.u32 $0x2, v14  }
0x77: {  	(erf) = vpow2.f32 v16;
	_ =	sdelay $0x3  }
0x78: {  	v16 =	vld.idx.msk [tilespmem:v17+s17+$0x0], $0xffff;
	_ =	sdelay $0x3  }
0x79: {  	v17 =	vor.u32 s28, v8  }
0x7a: {  	v18 =	vpop (erf)  }
0x7b: {  	v16 =	vmul.f32 v18, v16;
	_ =	sdelay $0x1  }
0x7c: {  	[tilespmem:s31+$0x6880] =	vst v16  }
0x7d: {  	v17 =	vld.idx.msk [tilespmem:v17+s4+$0x0], $0xffff;
	_ =	sdelay $0x5  }
0x7e: {  	v17 =	vsub.f32 v17, v9;
	_ =	sdelay $0x1  }
0x7f: {  	v17 =	vmul.f32 $1.442695020e+00, v17  }
0x80: {  	v14 =	vor.u32 $0x3, v14  }
0x81: {  	(erf) = vpow2.f32 v17;
	_ =	sdelay $0x3  }
0x82: {  	v14 =	vld.idx.msk [tilespmem:v14+s17+$0x0], $0xffff;
	_ =	sdelay $0x1  }
0x83: {  	v13 =	vadd.f32 $0.0e+00, v13;
	_ =	sdelay $0x1  }
0x84: {  	v13 =	vadd.f32 v15, v13  }
0x85: {  	v15 =	vpop (erf)  }
.Ltmp1:
0x86: {  	v16 =	vadd.f32 v16, v13;
	v14 =	vmul.f32 v15, v14;
	(pc) =	sbr.rel @p0 .LBB2_4-.Ltmp1, $3  }
0x87: {  	s28 =	sadd.s32 $0x40, s28  }
0x88: {  	v13 =	vor.u32 s28, v2;
	[tilespmem:s31+$0x7500] =	vst v14;
	v14 =	vadd.f32 v14, v16;
	_ =	sdelay $0x1  }
0x89: {  	v14 =	vmul.f32 $2.500000000e-01, v14  }
0x8a: {  	_ =	sdelay $0x2  }
0x8b: {  	[tilespmem:s26+$0x8180] =	vst v14  }
0x8c: {  	v13 =	vld.idx.msk [tilespmem:v13+s4+$0x0], $0xffff;
	_ =	sdelay $0x2  }
0x8d: {  	s1 =	sshra.s32 s28, $0x2  }
0x8e: {  	v14 =	vld [tilespmem:s1+$0x3200]  }
0x8f: {  	v11 =	vsub.f32 v13, v11;
	_ =	sdelay $0x1  }
0x90: {  	v11 =	vmul.f32 $1.442695020e+00, v11;
	_ =	sdelay $0x1  }
0x91: {  	v54 =	vshll.u32 v14, $0x2;
	(erf) = vpow2.f32 v11;
	_ =	sdelay $0x4  }
0x92: {  	v11 =	vld.idx.msk [tilespmem:v54+s17+$0x0], $0xffff;
	_ =	sdelay $0x2  }
0x93: {  	v55 =	vor.u32 s28, v6  }
0x94: {  	v15 =	vpop (erf)  }
0x95: {  	v11 =	vmul.f32 v15, v11;
	_ =	sdelay $0x1  }
0x96: {  	[tilespmem:s1+$0x4F80] =	vst v11  }
0x97: {  	v14 =	vld.idx.msk [tilespmem:v55+s4+$0x0], $0xffff;
	_ =	sdelay $0x4  }
0x98: {  	v12 =	vsub.f32 v14, v12;
	_ =	sdelay $0x1  }
0x99: {  	v12 =	vmul.f32 $1.442695020e+00, v12;
	_ =	sdelay $0x1  }
0x9a: {  	v56 =	vor.u32 $0x1, v54;
	(erf) = vpow2.f32 v12;
	_ =	sdelay $0x4  }
0x9b: {  	v57 =	vld.idx.msk [tilespmem:v56+s17+$0x0], $0xffff;
	_ =	sdelay $0x2  }
0x9c: {  	v58 =	vor.u32 s28, v7  }
0x9d: {  	v59 =	vpop (erf)  }
0x9e: {  	v12 =	vmul.f32 v59, v57  }
0x9f: {  	s31 =	sand.u32 $0xFF0, s29  }
0xa0: {  	[tilespmem:s31+$0x5C00] =	vst v12  }
0xa1: {  	v14 =	vld.idx.msk [tilespmem:v58+s4+$0x0], $0xffff;
	_ =	sdelay $0x4  }
0xa2: {  	v10 =	vsub.f32 v14, v10;
	_ =	sdelay $0x1  }
0xa3: {  	v10 =	vmul.f32 $1.442695020e+00, v10;
	_ =	sdelay $0x1  }
0xa4: {  	v60 =	vor.u32 $0x2, v54;
	(erf) = vpow2.f32 v10;
	_ =	sdelay $0x4  }
0xa5: {  	v10 =	vld.idx.msk [tilespmem:v60+s17+$0x0], $0xffff;
	_ =	sdelay $0x2  }
0xa6: {  	v61 =	vor.u32 s28, v8  }
0xa7: {  	v62 =	vpop (erf)  }
0xa8: {  	v10 =	vmul.f32 v62, v10;
	_ =	sdelay $0x1  }
0xa9: {  	[tilespmem:s31+$0x6880] =	vst v10  }
0xaa: {  	v14 =	vld.idx.msk [tilespmem:v61+s4+$0x0], $0xffff;
	_ =	sdelay $0x4  }
0xab: {  	v9 =	vsub.f32 v14, v9;
	_ =	sdelay $0x1  }
0xac: {  	v9 =	vmul.f32 $1.442695020e+00, v9;
	_ =	sdelay $0x1  }
0xad: {  	v13 =	vor.u32 $0x3, v54;
	(erf) = vpow2.f32 v9;
	_ =	sdelay $0x4  }
0xae: {  	v9 =	vld.idx.msk [tilespmem:v13+s17+$0x0], $0xffff  }
0xaf: {  	v11 =	vadd.f32 $0.0e+00, v11;
	_ =	sdelay $0x1  }
0xb0: {  	v11 =	vadd.f32 v12, v11  }
0xb1: {  	v63 =	vpop (erf)  }
0xb2: {  	v10 =	vadd.f32 v10, v11;
	v9 =	vmul.f32 v63, v9;
	_ =	sdelay $0x1  }
0xb3: {  	v10 =	vadd.f32 v9, v10;
	_ =	sdelay $0x1  }
0xb4: {  	v10 =	vmul.f32 $2.500000000e-01, v10  }
0xb5: {  	[tilespmem:s31+$0x7500] =	vst v9  }
0xb6: {  	[tilespmem:s1+$0x8180] =	vst v10  }
0xb7: {  	[hbm4b:s7+s18] =	stream.strided.scatter [tilespmem:s20], [sflag:$0x1], $0xC80, s19, s18, $0x38;
	[tilespmem:$0x8E00] =	vst v63  }
0xb8: {  	_ =	swait.ge [sflag:s13], $0xC80  }
0xb9: {  	[sflag:s13] =	ssyncset.done $0x0  }
0xba: {  	[sflag:s13] =	ssyncadd.s32 $0xFFFFF380  }
0xbb: {  	[hbm4b:s8+s18] =	stream.strided.scatter [tilespmem:s21], [sflag:$0x1], $0xC80, s19, s18, $0x38;
	[tilespmem:$0x8E00] =	vst v63  }
0xbc: {  	_ =	swait.ge [sflag:s13], $0xC80  }
0xbd: {  	[sflag:s13] =	ssyncset.done $0x0  }
0xbe: {  	[sflag:s13] =	ssyncadd.s32 $0xFFFFF380  }
0xbf: {  	[hbm4b:s9+s18] =	stream.strided.scatter [tilespmem:s22], [sflag:$0x1], $0xC80, s19, s18, $0x38;
	[tilespmem:$0x8E00] =	vst v63  }
0xc0: {  	_ =	swait.ge [sflag:s13], $0xC80  }
0xc1: {  	[sflag:s13] =	ssyncset.done $0x0  }
0xc2: {  	[sflag:s13] =	ssyncadd.s32 $0xFFFFF380  }
0xc3: {  	[hbm4b:s10+s18] =	stream.strided.scatter [tilespmem:s23], [sflag:$0x1], $0xC80, s19, s18, $0x38;
	[tilespmem:$0x8E00] =	vst v63  }
0xc4: {  	s25 =	sadd.s32 $0x1, s25;
	_ =	swait.ge [sflag:s13], $0xC80  }
0xc5: {  	p0 =	sne.s32 s25, s12;
	[sflag:s13] =	ssyncset.done $0x0  }
.Ltmp2:
0xc6: {  	[sflag:s13] =	ssyncadd.s32 $0xFFFFF380;
	(pc) =	sbr.rel @p0 .LBB2_1-.Ltmp2, $4  }
0xc7: {  	[hbm4b:s11+s4] =	stream.linear.scatter [tilespmem:s24], [sflag:$0x1], $0xC80, $0x38;
	[tilespmem:$0x8E00] =	vst v63  }
0xc8: {  	_ =	swait.ge [sflag:s13], $0xC80  }
0xc9: {  	[sflag:s13] =	ssyncset.done $0x0  }
0xca: {  	[sflag:s13] =	ssyncadd.s32 $0xFFFFF380  }
0xcb: {  	_ =	sfence.sel $0x180000  }
0xcc: {  	[bflag:$0x0] =	sbarrier.arrive $0xFFFF  }
0xcd: {  	_ =	strace $0x90000047  }
0xce: {  	[bflag:$0x2] =	sbarrier.arrive $0xFFFF  }
0xcf: {  	p0 =	sne.s32 s0, $0x0;
	s0 =	rddreg [dreg:$0x3]  }
0xd0: {  	s0 =	sadd.s32 @!p0 $0x100000, s0  }
0xd1: {  	[sflag:s0] =	ssyncadd.tile.s32 @!p0 $0x1;
	_ =	shalt  }
.Lfunc_end2:
_tile_overlayer_lowered:
.L_overlay_start_2:
0xd2: {  	(tag) =	ssettag $0x2  }
0xd3: {  	s0 =	rddreg [dreg:$0x0];
	s2 =	stileid.u32  }
0xd4: {  	s1 =	rddreg [dreg:$0x1];
	p0 =	sne.s32 s2, $0x0  }
0xd5: {  	s3 =	rddreg [dreg:$0x2];
	[bflag:$0x3] =	sbarrier.arrive $0xFFFF;
	s2 =	simm.s32 @!p0 $0x1C01  }
0xd6: {  	[timem:s3], [sflag:s2] =	dma.local @!p0 [hbm:s0], s1  }
0xd7: {  	s0 =	simm.s32 @!p0 $0x1  }
0xd8: {  	_ =	swait.ge @!p0 [sflag:s0], s1  }
0xd9: {  	s1 =	ssub.s32 @!p0 $0x0, s1;
	[sflag:s0] =	ssyncset.done @!p0 $0x0  }
0xda: {  	[sflag:s0] =	ssyncadd.s32 @!p0 s1  }
0xdb: {  	[bflag:$0x3] =	sbarrier.arrive $0xFFFF  }
0xdc: {  	_ =	shalt  }

</sc_bundles>
